<compile_context>
chip_gen: v7x
topology: tpu7x:2x2x1
jax: 0.10.2.dev20260603
libtpu: 0.0.44.dev20260713+nightly
codegen_flags: <defaults>
</compile_context>

<pallas_src>
import functools

import jax
import jax.numpy as jnp
from jax import lax
from jax.experimental import pallas as pl
from jax.experimental.pallas import tpu as pltpu
from jax.experimental.pallas import tpu_sc as plsc

_N = 512
_E = 4096
_CH = 16
_NN = _N * _N
_LN = _N * _CH
_ECHUNK = 1024
_JB = 2048
_NJ = _LN // _JB
_KB = 128
_NK = _LN // _KB


_NTILE = 32
_RPT = _N // _NTILE
_L = 16


@functools.partial(
    pl.kernel,
    mesh=plsc.VectorSubcoreMesh(core_axis_name="c", subcore_axis_name="s"),
    compiler_params=pltpu.CompilerParams(needs_layout_passes=False),
    out_type=jax.ShapeDtypeStruct((_NN,), jnp.float32),
    scratch_types=[pltpu.VMEM((2 * _E,), jnp.int32),
                   pltpu.VMEM((_RPT * _N + _L,), jnp.float32)],
)
def _adj_sc(ei_hbm, a_hbm, ei_v, a_v):
    wid = lax.axis_index("s") * 2 + lax.axis_index("c")
    lo = wid * _RPT
    pltpu.sync_copy(ei_hbm, ei_v)

    def zero_step(i, _):
        a_v[pl.ds(i * _L, _L)] = jnp.zeros((_L,), jnp.float32)
        return 0

    lax.fori_loop(0, (_RPT * _N + _L) // _L, zero_step, 0)

    iot = lax.iota(jnp.int32, _L)
    lane = [iot == l for l in range(_L)]
    dummy = _RPT * _N + iot

    def chunk_step(t, _):
        s = ei_v[pl.ds(t * _L, _L)]
        d = ei_v[pl.ds(_E + t * _L, _L)]
        r = d - lo
        inr = (r >= 0) & (r < _RPT)
        base = jnp.where(inr, r * _N + s, 0)

        for l in range(_L):
            m = inr & lane[l]
            idx = jnp.where(m, base, dummy)
            val = jnp.where(m, 1.0, 0.0)
            plsc.addupdate_scatter(a_v, [idx], val)

        return 0

    lax.fori_loop(0, _E // _L, chunk_step, 0)
    pltpu.sync_copy(a_v.at[pl.ds(0, _RPT * _N)],
                    a_hbm.at[pl.ds(lo * _N, _RPT * _N)])


def _sel(rows, cols, mod):
    return (jax.lax.broadcasted_iota(jnp.int32, (rows, cols), 0) % mod
            == jax.lax.broadcasted_iota(jnp.int32, (rows, cols), 1) % mod
            ).astype(jnp.float32)


def _y0_body(d1_ref, w_ref, y_ref):
    def y0_step(k, _):
        js = pl.ds(k * _KB, _KB)
        y_ref[:, js] = jnp.dot(w_ref[:, js], d1_ref[...],
                               preferred_element_type=jnp.float32
                               ).astype(jnp.bfloat16)
        return 0

    jax.lax.fori_loop(0, _NK, y0_step, 0)


def _body(epsp_ref, af_ref, c0_ref, c1_ref, w2_ref, vecs_ref,
          y_hbm, o_ref, ab_ref, y_ref, h_ref, r_ref, sem):
    cp = pltpu.make_async_copy(y_hbm, y_ref, sem)
    cp.start()

    ab_ref[...] = af_ref[...].astype(jnp.bfloat16)

    cp.wait()

    for layer in range(3):
        k_eps = epsp_ref[layer]

        def prop_step(j, carry):
            s1r, s2r = carry
            js = pl.ds(j * _JB, _JB)
            yb = y_ref[:, js]
            hb = (jnp.dot(ab_ref[...], yb, preferred_element_type=jnp.float32)
                  + k_eps * yb.astype(jnp.float32))
            h_ref[:, js] = hb
            s1r = s1r + jnp.sum(hb, axis=0, keepdims=True)
            s2r = s2r + jnp.sum(hb * hb, axis=0, keepdims=True)
            return s1r, s2r

        zrow = jnp.zeros((1, _JB), jnp.float32)
        s1r, s2r = jax.lax.fori_loop(0, _NJ, prop_step, (zrow, zrow))
        p = _sel(_JB, _CH, _CH)
        s1 = jnp.dot(s1r, p, preferred_element_type=jnp.float32)
        s2 = jnp.dot(s2r, p, preferred_element_type=jnp.float32)

        mu = s1 / _NN
        var = s2 / _NN - mu * mu
        g = vecs_ref[layer, 0:1, :]
        bt = vecs_ref[layer, 1:2, :]
        av = jax.lax.rsqrt(var + 1e-5) * g
        dv = bt - mu * av
        u = _sel(_CH, _KB, _CH)
        a128 = jnp.dot(av, u, preferred_element_type=jnp.float32)
        d128 = jnp.dot(dv, u, preferred_element_type=jnp.float32)

        if layer < 2:
            c_ref = c0_ref if layer == 0 else c1_ref
            bias = vecs_ref[layer, 2:3, :]
            b128 = jnp.dot(bias, u, preferred_element_type=jnp.float32)

            def fin_step(k, _):
                js = pl.ds(k * _KB, _KB)
                x = jnp.maximum(h_ref[:, js] * a128 + d128, 0.0)
                y_ref[:, js] = (jnp.dot(
                    x, c_ref[...], preferred_element_type=jnp.float32) + b128
                    ).astype(jnp.bfloat16)
                return 0

            jax.lax.fori_loop(0, _NK, fin_step, 0)
        else:
            pf = _sel(_KB, _CH, _CH)

            def red_step(k, _):
                js = pl.ds(k * _KB, _KB)
                x = jnp.maximum(h_ref[:, js] * a128 + d128, 0.0)
                rk = jnp.dot(x, pf, preferred_element_type=jnp.float32)
                r_ref[...] = jnp.where(k == 0, rk, r_ref[...] + rk)
                return 0

            jax.lax.fori_loop(0, _NK, red_step, 0)

            b2 = vecs_ref[layer, 2:3, :]
            o_ref[...] = (jnp.dot(r_ref[...], w2_ref[...],
                                  preferred_element_type=jnp.float32)
                          + _N * b2)


def kernel(W, edge_index, eps_0, W1_0, b1_0, g_0, bt_0, W2_0, b2_0,
           eps_1, W1_1, b1_1, g_1, bt_1, W2_1, b2_1,
           eps_2, W1_2, b1_2, g_2, bt_2, W2_2, b2_2):
    eye8 = jnp.eye(_KB // _CH, dtype=jnp.float32)
    d1 = jnp.kron(eye8, W1_0)
    c0 = jnp.kron(eye8, W2_0 @ W1_1)
    c1 = jnp.kron(eye8, W2_1 @ W1_2)
    pad = jnp.zeros((5, _CH), jnp.float32)
    vecs = jnp.stack([
        jnp.concatenate([g_0[None], bt_0[None], (b2_0 @ W1_1)[None], pad]),
        jnp.concatenate([g_1[None], bt_1[None], (b2_1 @ W1_2)[None], pad]),
        jnp.concatenate([g_2[None], bt_2[None], b2_2[None], pad]),
    ])
    epsp = 1.0 + jnp.concatenate([eps_0, eps_1, eps_2])

    a = _adj_sc(edge_index.reshape(-1)).reshape(_N, _N)

    y0 = pl.pallas_call(
        _y0_body,
        in_specs=[pl.BlockSpec(memory_space=pltpu.VMEM),
                  pl.BlockSpec(memory_space=pltpu.VMEM)],
        out_specs=pl.BlockSpec(memory_space=pltpu.VMEM),
        out_shape=jax.ShapeDtypeStruct((_N, _LN), jnp.bfloat16),
    )(d1, W.reshape(_N, _LN))

    return pl.pallas_call(
        _body,
        in_specs=[pl.BlockSpec(memory_space=pltpu.SMEM),
                  pl.BlockSpec(memory_space=pltpu.VMEM),
                  pl.BlockSpec(memory_space=pltpu.VMEM),
                  pl.BlockSpec(memory_space=pltpu.VMEM),
                  pl.BlockSpec(memory_space=pltpu.VMEM),
                  pl.BlockSpec(memory_space=pltpu.VMEM),
                  pl.BlockSpec(memory_space=pl.ANY)],
        out_specs=pl.BlockSpec(memory_space=pltpu.VMEM),
        out_shape=jax.ShapeDtypeStruct((_N, _CH), jnp.float32),
        scratch_shapes=[pltpu.VMEM((_N, _N), jnp.bfloat16),
                        pltpu.VMEM((_N, _LN), jnp.bfloat16),
                        pltpu.VMEM((_N, _LN), jnp.float32),
                        pltpu.VMEM((_N, _CH), jnp.float32),
                        pltpu.SemaphoreType.DMA],
    )(epsp, a, c0, c1, W2_2, vecs, y0)

# --- scband reference (transcript-rebuilt; emitter-appended) ---
"""Pipeline reference for scband-stable-expressive-penode-encoder-90065464197250 (READ-ONLY COPY).

The authoritative reference and input builder live on the scoring server;
editing this copy changes nothing except your own understanding.
"""

import jax, jax.numpy as jnp
import numpy as np

N = 512
E = 4096
M = 16
H = 16
O = 16


def setup_inputs(seed: int = 0) -> dict:
    key = jax.random.key(seed)
    ks = jax.random.split(key, 16)
    inp = {}
    inp["W"] = jax.random.normal(ks[0], (N, N, M), dtype=jnp.float32)
    inp["edge_index"] = jax.random.randint(ks[1], (2, E), 0, N, dtype=jnp.int32)
    dims = [(M, H, H), (H, H, H), (H, H, O)]
    kidx = 2
    for l, (di, dh, do) in enumerate(dims):
        inp[f"eps_{l}"] = jax.random.normal(ks[kidx], (1,), dtype=jnp.float32); kidx += 1
        inp[f"W1_{l}"] = jax.random.normal(ks[kidx], (di, dh), dtype=jnp.float32) * 0.05; kidx += 1
        inp[f"b1_{l}"] = jnp.zeros((dh,), dtype=jnp.float32)
        inp[f"g_{l}"] = jnp.ones((dh,), dtype=jnp.float32)
        inp[f"bt_{l}"] = jnp.zeros((dh,), dtype=jnp.float32)
        inp[f"W2_{l}"] = jax.random.normal(ks[kidx], (dh, do), dtype=jnp.float32) * 0.05; kidx += 1
        inp[f"b2_{l}"] = jnp.zeros((do,), dtype=jnp.float32)
    return inp


def reference(W, edge_index, eps_0, W1_0, b1_0, g_0, bt_0, W2_0, b2_0,
              eps_1, W1_1, b1_1, g_1, bt_1, W2_1, b2_1,
              eps_2, W1_2, b1_2, g_2, bt_2, W2_2, b2_2):
    src = edge_index[0]
    dst = edge_index[1]

    def gin_layer(X, eps, W1, b1, g, bt, W2, b2):
        # MessagePassing(aggr='add', flow='source_to_target'): gather X_j at src, scatter-add to dst
        msgs = X[src]
        S = jnp.zeros_like(X).at[dst].add(msgs)
        Z = (1.0 + eps[0]) * X + S
        # MLPs(n_layers=2): Linear -> BatchNorm (batch stats, training mode) -> ReLU -> Linear
        Hh = Z @ W1 + b1
        sh = Hh.shape
        Hf = Hh.reshape(-1, sh[-1])
        mu = Hf.mean(axis=0)
        var = Hf.var(axis=0)
        Hf = (Hf - mu) / jnp.sqrt(var + 1e-5) * g + bt
        Hh = jax.nn.relu(Hf.reshape(sh))
        return Hh @ W2 + b2

    params = [
        (eps_0, W1_0, b1_0, g_0, bt_0, W2_0, b2_0),
        (eps_1, W1_1, b1_1, g_1, bt_1, W2_1, b2_1),
        (eps_2, W1_2, b1_2, g_2, bt_2, W2_2, b2_2),
    ]
    X = W  # single graph => no padding needed, n_max = N
    for p in params:
        X = gin_layer(X, *p)
    mask = jnp.ones((N, N), dtype=X.dtype)  # single graph => mask is all-True
    PE = (X * mask[:, :, None]).sum(axis=1)  # [N, D_pe]
    return PE

if __name__ == "__main__":
    import jax
    _d = setup_inputs()
    print(jax.jit(kernel)(*tuple(_d.values())))

</pallas_src>

<mosaic_0001>
#map = affine_map<(d0, d1) -> (0)>
module attributes {stable_mosaic.version = 14 : i64} {
  func.func @_adj_sc(%arg0: i32, %arg1: i32, %arg2: memref<8192xi32, #tpu.memory_space<hbm>>, %arg3: memref<262144xf32, #tpu.memory_space<hbm>>, %arg4: memref<8192xi32, #tpu.memory_space<vmem>>, %arg5: memref<8208xf32, #tpu.memory_space<vmem>>) attributes {dimension_semantics = [#tpu.dimension_semantics<core_parallel>, #tpu.dimension_semantics<subcore_parallel>], iteration_bounds = array<i64: 2, 16>, scalar_prefetch = 0 : i64, scratch_operands = 2 : i64, tpu.core_type = #tpu.core_type<sc_vector_subcore>, window_params = [{transform_indices = #map}, {transform_indices = #map}]} {
    %mul3A = arith.constant 2 : i32
    %mul3A_0 = arith.muli %arg1, %mul3A : i32
    %add3A = arith.addi %mul3A_0, %arg0 : i32
    %mul3A_1 = arith.constant 16 : i32
    %mul3A_2 = arith.muli %add3A, %mul3A_1 : i32
    "tpu.region"() ({
      %run_scoped3A = tpu.sem_alloc : memref<!tpu.dma_semaphore, #tpu.memory_space<semaphore_mem>>
      tpu.enqueue_dma source(%arg2 : memref<8192xi32, #tpu.memory_space<hbm>>) target(%arg4 : memref<8192xi32, #tpu.memory_space<vmem>>) target_semaphore(%run_scoped3A : memref<!tpu.dma_semaphore, #tpu.memory_space<semaphore_mem>>)
      tpu.wait_dma2 semaphore(%run_scoped3A : memref<!tpu.dma_semaphore, #tpu.memory_space<semaphore_mem>>) src(%arg2 : memref<8192xi32, #tpu.memory_space<hbm>>) dst(%arg4 : memref<8192xi32, #tpu.memory_space<vmem>>)
      tpu.yield
    }) : () -> ()
    %scan3A = arith.constant 0 : i32
    %scan3A_3 = arith.constant 0 : i32
    %scan3A_4 = arith.constant 513 : i32
    %scan3A_5 = arith.addi %scan3A_3, %scan3A_4 : i32
    %scan3A_6 = arith.constant 1 : i32
    %scan3A_7 = scf.for %scan3A_68 = %scan3A_3 to %scan3A_5 step %scan3A_6 iter_args(%scan3A_69 = %scan3A) -> (i32)  : i32 {
      %broadcast_in_dim3A = arith.constant 0.000000e+00 : f32
      %broadcast_in_dim3A_70 = vector.broadcast %broadcast_in_dim3A : f32 to vector<16xf32>
      %mul3A_71 = arith.constant 16 : i32
      %mul3A_72 = arith.muli %scan3A_68, %mul3A_71 : i32
      %swap3A = arith.index_cast %mul3A_72 : i32 to index
      %swap3A_73 = tpu.vector_load %arg5[%swap3A] {strides = array<i32>} : memref<8208xf32, #tpu.memory_space<vmem>>, vector<16xf32>,
      tpu.vector_store %arg5[%swap3A], %broadcast_in_dim3A_70 {strides = array<i32>} : memref<8208xf32, #tpu.memory_space<vmem>>, vector<16xf32>,
      %scan3A_74 = arith.constant 0 : i32
      scf.yield %scan3A_74 : i32
    }
    %scan3A_8 = arith.constant 513 : i32
    %iota3A = tpu.iota {dimensions = array<i32: 0>} : vector<16xi32>
    %eq3A = arith.constant 0 : i32
    %eq3A_9 = vector.broadcast %eq3A : i32 to vector<16xi32>
    %eq3A_10 = arith.cmpi eq, %iota3A, %eq3A_9 : vector<16xi32>
    %eq3A_11 = arith.constant 1 : i32
    %eq3A_12 = vector.broadcast %eq3A_11 : i32 to vector<16xi32>
    %eq3A_13 = arith.cmpi eq, %iota3A, %eq3A_12 : vector<16xi32>
    %eq3A_14 = arith.constant 2 : i32
    %eq3A_15 = vector.broadcast %eq3A_14 : i32 to vector<16xi32>
    %eq3A_16 = arith.cmpi eq, %iota3A, %eq3A_15 : vector<16xi32>
    %eq3A_17 = arith.constant 3 : i32
    %eq3A_18 = vector.broadcast %eq3A_17 : i32 to vector<16xi32>
    %eq3A_19 = arith.cmpi eq, %iota3A, %eq3A_18 : vector<16xi32>
    %eq3A_20 = arith.constant 4 : i32
    %eq3A_21 = vector.broadcast %eq3A_20 : i32 to vector<16xi32>
    %eq3A_22 = arith.cmpi eq, %iota3A, %eq3A_21 : vector<16xi32>
    %eq3A_23 = arith.constant 5 : i32
    %eq3A_24 = vector.broadcast %eq3A_23 : i32 to vector<16xi32>
    %eq3A_25 = arith.cmpi eq, %iota3A, %eq3A_24 : vector<16xi32>
    %eq3A_26 = arith.constant 6 : i32
    %eq3A_27 = vector.broadcast %eq3A_26 : i32 to vector<16xi32>
    %eq3A_28 = arith.cmpi eq, %iota3A, %eq3A_27 : vector<16xi32>
    %eq3A_29 = arith.constant 7 : i32
    %eq3A_30 = vector.broadcast %eq3A_29 : i32 to vector<16xi32>
    %eq3A_31 = arith.cmpi eq, %iota3A, %eq3A_30 : vector<16xi32>
    %eq3A_32 = arith.constant 8 : i32
    %eq3A_33 = vector.broadcast %eq3A_32 : i32 to vector<16xi32>
    %eq3A_34 = arith.cmpi eq, %iota3A, %eq3A_33 : vector<16xi32>
    %eq3A_35 = arith.constant 9 : i32
    %eq3A_36 = vector.broadcast %eq3A_35 : i32 to vector<16xi32>
    %eq3A_37 = arith.cmpi eq, %iota3A, %eq3A_36 : vector<16xi32>
    %eq3A_38 = arith.constant 10 : i32
    %eq3A_39 = vector.broadcast %eq3A_38 : i32 to vector<16xi32>
    %eq3A_40 = arith.cmpi eq, %iota3A, %eq3A_39 : vector<16xi32>
    %eq3A_41 = arith.constant 11 : i32
    %eq3A_42 = vector.broadcast %eq3A_41 : i32 to vector<16xi32>
    %eq3A_43 = arith.cmpi eq, %iota3A, %eq3A_42 : vector<16xi32>
    %eq3A_44 = arith.constant 12 : i32
    %eq3A_45 = vector.broadcast %eq3A_44 : i32 to vector<16xi32>
    %eq3A_46 = arith.cmpi eq, %iota3A, %eq3A_45 : vector<16xi32>
    %eq3A_47 = arith.constant 13 : i32
    %eq3A_48 = vector.broadcast %eq3A_47 : i32 to vector<16xi32>
    %eq3A_49 = arith.cmpi eq, %iota3A, %eq3A_48 : vector<16xi32>
    %eq3A_50 = arith.constant 14 : i32
    %eq3A_51 = vector.broadcast %eq3A_50 : i32 to vector<16xi32>
    %eq3A_52 = arith.cmpi eq, %iota3A, %eq3A_51 : vector<16xi32>
    %eq3A_53 = arith.constant 15 : i32
    %eq3A_54 = vector.broadcast %eq3A_53 : i32 to vector<16xi32>
    %eq3A_55 = arith.cmpi eq, %iota3A, %eq3A_54 : vector<16xi32>
    %add3A_56 = arith.constant 8192 : i32
    %add3A_57 = vector.broadcast %add3A_56 : i32 to vector<16xi32>
    %add3A_58 = arith.addi %add3A_57, %iota3A : vector<16xi32>
    %scan3A_59 = arith.constant 0 : i32
    %scan3A_60 = arith.constant 0 : i32
    %scan3A_61 = arith.constant 256 : i32
    %scan3A_62 = arith.addi %scan3A_60, %scan3A_61 : i32
    %scan3A_63 = arith.constant 1 : i32
    %scan3A_64 = scf.for %scan3A_68 = %scan3A_60 to %scan3A_62 step %scan3A_63 iter_args(%scan3A_69 = %scan3A_59) -> (i32)  : i32 {
      %mul3A_70 = arith.constant 16 : i32
      %mul3A_71 = arith.muli %scan3A_68, %mul3A_70 : i32
      %get3A = arith.index_cast %mul3A_71 : i32 to index
      %get3A_72 = tpu.vector_load %arg4[%get3A] {strides = array<i32>} : memref<8192xi32, #tpu.memory_space<vmem>>, vector<16xi32>,
      %mul3A_73 = arith.constant 16 : i32
      %mul3A_74 = arith.muli %scan3A_68, %mul3A_73 : i32
      %add3A_75 = arith.constant 4096 : i32
      %add3A_76 = arith.addi %add3A_75, %mul3A_74 : i32
      %get3A_77 = arith.index_cast %add3A_76 : i32 to index
      %get3A_78 = tpu.vector_load %arg4[%get3A_77] {strides = array<i32>} : memref<8192xi32, #tpu.memory_space<vmem>>, vector<16xi32>,
      %sub3A = vector.broadcast %mul3A_2 : i32 to vector<16xi32>
      %sub3A_79 = arith.subi %get3A_78, %sub3A : vector<16xi32>
      %ge3A = arith.constant 0 : i32
      %ge3A_80 = vector.broadcast %ge3A : i32 to vector<16xi32>
      %ge3A_81 = arith.cmpi sge, %sub3A_79, %ge3A_80 : vector<16xi32>
      %lt3A = arith.constant 16 : i32
      %lt3A_82 = vector.broadcast %lt3A : i32 to vector<16xi32>
      %lt3A_83 = arith.cmpi slt, %sub3A_79, %lt3A_82 : vector<16xi32>
      %and3A = arith.andi %ge3A_81, %lt3A_83 : vector<16xi1>
      %mul3A_84 = arith.constant 512 : i32
      %mul3A_85 = vector.broadcast %mul3A_84 : i32 to vector<16xi32>
      %mul3A_86 = arith.muli %sub3A_79, %mul3A_85 : vector<16xi32>
      %add3A_87 = arith.addi %mul3A_86, %get3A_72 : vector<16xi32>
      %jit3A = arith.constant 0 : i32
      %broadcast_in_dim3A = vector.broadcast %jit3A : i32 to vector<16xi32>
      %select_n3A = arith.select %and3A, %add3A_87, %broadcast_in_dim3A : vector<16xi1>, vector<16xi32>
      %and3A_88 = arith.andi %and3A, %eq3A_10 : vector<16xi1>
      %select_n3A_89 = arith.select %and3A_88, %select_n3A, %add3A_58 : vector<16xi1>, vector<16xi32>
      %jit3A_90 = arith.constant 1.000000e+00 : f32
      %jit3A_91 = arith.constant 0.000000e+00 : f32
      %broadcast_in_dim3A_92 = vector.broadcast %jit3A_90 : f32 to vector<16xf32>
      %broadcast_in_dim3A_93 = vector.broadcast %jit3A_91 : f32 to vector<16xf32>
      %select_n3A_94 = arith.select %and3A_88, %broadcast_in_dim3A_92, %broadcast_in_dim3A_93 : vector<16xi1>, vector<16xf32>
      tpu.vector_store_idx %arg5[%select_n3A_89], %select_n3A_94 {add = true} : memref<8208xf32, #tpu.memory_space<vmem>>[vector<16xi32>], vector<16xf32>,
      %and3A_95 = arith.andi %and3A, %eq3A_13 : vector<16xi1>
      %select_n3A_96 = arith.select %and3A_95, %select_n3A, %add3A_58 : vector<16xi1>, vector<16xi32>
      %jit3A_97 = arith.constant 1.000000e+00 : f32
      %jit3A_98 = arith.constant 0.000000e+00 : f32
      %broadcast_in_dim3A_99 = vector.broadcast %jit3A_97 : f32 to vector<16xf32>
      %broadcast_in_dim3A_100 = vector.broadcast %jit3A_98 : f32 to vector<16xf32>
      %select_n3A_101 = arith.select %and3A_95, %broadcast_in_dim3A_99, %broadcast_in_dim3A_100 : vector<16xi1>, vector<16xf32>
      tpu.vector_store_idx %arg5[%select_n3A_96], %select_n3A_101 {add = true} : memref<8208xf32, #tpu.memory_space<vmem>>[vector<16xi32>], vector<16xf32>,
      %and3A_102 = arith.andi %and3A, %eq3A_16 : vector<16xi1>
      %select_n3A_103 = arith.select %and3A_102, %select_n3A, %add3A_58 : vector<16xi1>, vector<16xi32>
      %jit3A_104 = arith.constant 1.000000e+00 : f32
      %jit3A_105 = arith.constant 0.000000e+00 : f32
      %broadcast_in_dim3A_106 = vector.broadcast %jit3A_104 : f32 to vector<16xf32>
      %broadcast_in_dim3A_107 = vector.broadcast %jit3A_105 : f32 to vector<16xf32>
      %select_n3A_108 = arith.select %and3A_102, %broadcast_in_dim3A_106, %broadcast_in_dim3A_107 : vector<16xi1>, vector<16xf32>
      tpu.vector_store_idx %arg5[%select_n3A_103], %select_n3A_108 {add = true} : memref<8208xf32, #tpu.memory_space<vmem>>[vector<16xi32>], vector<16xf32>,
      %and3A_109 = arith.andi %and3A, %eq3A_19 : vector<16xi1>
      %select_n3A_110 = arith.select %and3A_109, %select_n3A, %add3A_58 : vector<16xi1>, vector<16xi32>
      %jit3A_111 = arith.constant 1.000000e+00 : f32
      %jit3A_112 = arith.constant 0.000000e+00 : f32
      %broadcast_in_dim3A_113 = vector.broadcast %jit3A_111 : f32 to vector<16xf32>
      %broadcast_in_dim3A_114 = vector.broadcast %jit3A_112 : f32 to vector<16xf32>
      %select_n3A_115 = arith.select %and3A_109, %broadcast_in_dim3A_113, %broadcast_in_dim3A_114 : vector<16xi1>, vector<16xf32>
      tpu.vector_store_idx %arg5[%select_n3A_110], %select_n3A_115 {add = true} : memref<8208xf32, #tpu.memory_space<vmem>>[vector<16xi32>], vector<16xf32>,
      %and3A_116 = arith.andi %and3A, %eq3A_22 : vector<16xi1>
      %select_n3A_117 = arith.select %and3A_116, %select_n3A, %add3A_58 : vector<16xi1>, vector<16xi32>
      %jit3A_118 = arith.constant 1.000000e+00 : f32
      %jit3A_119 = arith.constant 0.000000e+00 : f32
      %broadcast_in_dim3A_120 = vector.broadcast %jit3A_118 : f32 to vector<16xf32>
      %broadcast_in_dim3A_121 = vector.broadcast %jit3A_119 : f32 to vector<16xf32>
      %select_n3A_122 = arith.select %and3A_116, %broadcast_in_dim3A_120, %broadcast_in_dim3A_121 : vector<16xi1>, vector<16xf32>
      tpu.vector_store_idx %arg5[%select_n3A_117], %select_n3A_122 {add = true} : memref<8208xf32, #tpu.memory_space<vmem>>[vector<16xi32>], vector<16xf32>,
      %and3A_123 = arith.andi %and3A, %eq3A_25 : vector<16xi1>
      %select_n3A_124 = arith.select %and3A_123, %select_n3A, %add3A_58 : vector<16xi1>, vector<16xi32>
      %jit3A_125 = arith.constant 1.000000e+00 : f32
      %jit3A_126 = arith.constant 0.000000e+00 : f32
      %broadcast_in_dim3A_127 = vector.broadcast %jit3A_125 : f32 to vector<16xf32>
      %broadcast_in_dim3A_128 = vector.broadcast %jit3A_126 : f32 to vector<16xf32>
      %select_n3A_129 = arith.select %and3A_123, %broadcast_in_dim3A_127, %broadcast_in_dim3A_128 : vector<16xi1>, vector<16xf32>
      tpu.vector_store_idx %arg5[%select_n3A_124], %select_n3A_129 {add = true} : memref<8208xf32, #tpu.memory_space<vmem>>[vector<16xi32>], vector<16xf32>,
      %and3A_130 = arith.andi %and3A, %eq3A_28 : vector<16xi1>
      %select_n3A_131 = arith.select %and3A_130, %select_n3A, %add3A_58 : vector<16xi1>, vector<16xi32>
      %jit3A_132 = arith.constant 1.000000e+00 : f32
      %jit3A_133 = arith.constant 0.000000e+00 : f32
      %broadcast_in_dim3A_134 = vector.broadcast %jit3A_132 : f32 to vector<16xf32>
      %broadcast_in_dim3A_135 = vector.broadcast %jit3A_133 : f32 to vector<16xf32>
      %select_n3A_136 = arith.select %and3A_130, %broadcast_in_dim3A_134, %broadcast_in_dim3A_135 : vector<16xi1>, vector<16xf32>
      tpu.vector_store_idx %arg5[%select_n3A_131], %select_n3A_136 {add = true} : memref<8208xf32, #tpu.memory_space<vmem>>[vector<16xi32>], vector<16xf32>,
      %and3A_137 = arith.andi %and3A, %eq3A_31 : vector<16xi1>
      %select_n3A_138 = arith.select %and3A_137, %select_n3A, %add3A_58 : vector<16xi1>, vector<16xi32>
      %jit3A_139 = arith.constant 1.000000e+00 : f32
      %jit3A_140 = arith.constant 0.000000e+00 : f32
      %broadcast_in_dim3A_141 = vector.broadcast %jit3A_139 : f32 to vector<16xf32>
      %broadcast_in_dim3A_142 = vector.broadcast %jit3A_140 : f32 to vector<16xf32>
      %select_n3A_143 = arith.select %and3A_137, %broadcast_in_dim3A_141, %broadcast_in_dim3A_142 : vector<16xi1>, vector<16xf32>
      tpu.vector_store_idx %arg5[%select_n3A_138], %select_n3A_143 {add = true} : memref<8208xf32, #tpu.memory_space<vmem>>[vector<16xi32>], vector<16xf32>,
      %and3A_144 = arith.andi %and3A, %eq3A_34 : vector<16xi1>
      %select_n3A_145 = arith.select %and3A_144, %select_n3A, %add3A_58 : vector<16xi1>, vector<16xi32>
      %jit3A_146 = arith.constant 1.000000e+00 : f32
      %jit3A_147 = arith.constant 0.000000e+00 : f32
      %broadcast_in_dim3A_148 = vector.broadcast %jit3A_146 : f32 to vector<16xf32>
      %broadcast_in_dim3A_149 = vector.broadcast %jit3A_147 : f32 to vector<16xf32>
      %select_n3A_150 = arith.select %and3A_144, %broadcast_in_dim3A_148, %broadcast_in_dim3A_149 : vector<16xi1>, vector<16xf32>
      tpu.vector_store_idx %arg5[%select_n3A_145], %select_n3A_150 {add = true} : memref<8208xf32, #tpu.memory_space<vmem>>[vector<16xi32>], vector<16xf32>,
      %and3A_151 = arith.andi %and3A, %eq3A_37 : vector<16xi1>
      %select_n3A_152 = arith.select %and3A_151, %select_n3A, %add3A_58 : vector<16xi1>, vector<16xi32>
      %jit3A_153 = arith.constant 1.000000e+00 : f32
      %jit3A_154 = arith.constant 0.000000e+00 : f32
      %broadcast_in_dim3A_155 = vector.broadcast %jit3A_153 : f32 to vector<16xf32>
      %broadcast_in_dim3A_156 = vector.broadcast %jit3A_154 : f32 to vector<16xf32>
      %select_n3A_157 = arith.select %and3A_151, %broadcast_in_dim3A_155, %broadcast_in_dim3A_156 : vector<16xi1>, vector<16xf32>
      tpu.vector_store_idx %arg5[%select_n3A_152], %select_n3A_157 {add = true} : memref<8208xf32, #tpu.memory_space<vmem>>[vector<16xi32>], vector<16xf32>,
      %and3A_158 = arith.andi %and3A, %eq3A_40 : vector<16xi1>
      %select_n3A_159 = arith.select %and3A_158, %select_n3A, %add3A_58 : vector<16xi1>, vector<16xi32>
      %jit3A_160 = arith.constant 1.000000e+00 : f32
      %jit3A_161 = arith.constant 0.000000e+00 : f32
      %broadcast_in_dim3A_162 = vector.broadcast %jit3A_160 : f32 to vector<16xf32>
      %broadcast_in_dim3A_163 = vector.broadcast %jit3A_161 : f32 to vector<16xf32>
      %select_n3A_164 = arith.select %and3A_158, %broadcast_in_dim3A_162, %broadcast_in_dim3A_163 : vector<16xi1>, vector<16xf32>
      tpu.vector_store_idx %arg5[%select_n3A_159], %select_n3A_164 {add = true} : memref<8208xf32, #tpu.memory_space<vmem>>[vector<16xi32>], vector<16xf32>,
      %and3A_165 = arith.andi %and3A, %eq3A_43 : vector<16xi1>
      %select_n3A_166 = arith.select %and3A_165, %select_n3A, %add3A_58 : vector<16xi1>, vector<16xi32>
      %jit3A_167 = arith.constant 1.000000e+00 : f32
      %jit3A_168 = arith.constant 0.000000e+00 : f32
      %broadcast_in_dim3A_169 = vector.broadcast %jit3A_167 : f32 to vector<16xf32>
      %broadcast_in_dim3A_170 = vector.broadcast %jit3A_168 : f32 to vector<16xf32>
      %select_n3A_171 = arith.select %and3A_165, %broadcast_in_dim3A_169, %broadcast_in_dim3A_170 : vector<16xi1>, vector<16xf32>
      tpu.vector_store_idx %arg5[%select_n3A_166], %select_n3A_171 {add = true} : memref<8208xf32, #tpu.memory_space<vmem>>[vector<16xi32>], vector<16xf32>,
      %and3A_172 = arith.andi %and3A, %eq3A_46 : vector<16xi1>
      %select_n3A_173 = arith.select %and3A_172, %select_n3A, %add3A_58 : vector<16xi1>, vector<16xi32>
      %jit3A_174 = arith.constant 1.000000e+00 : f32
      %jit3A_175 = arith.constant 0.000000e+00 : f32
      %broadcast_in_dim3A_176 = vector.broadcast %jit3A_174 : f32 to vector<16xf32>
      %broadcast_in_dim3A_177 = vector.broadcast %jit3A_175 : f32 to vector<16xf32>
      %select_n3A_178 = arith.select %and3A_172, %broadcast_in_dim3A_176, %broadcast_in_dim3A_177 : vector<16xi1>, vector<16xf32>
      tpu.vector_store_idx %arg5[%select_n3A_173], %select_n3A_178 {add = true} : memref<8208xf32, #tpu.memory_space<vmem>>[vector<16xi32>], vector<16xf32>,
      %and3A_179 = arith.andi %and3A, %eq3A_49 : vector<16xi1>
      %select_n3A_180 = arith.select %and3A_179, %select_n3A, %add3A_58 : vector<16xi1>, vector<16xi32>
      %jit3A_181 = arith.constant 1.000000e+00 : f32
      %jit3A_182 = arith.constant 0.000000e+00 : f32
      %broadcast_in_dim3A_183 = vector.broadcast %jit3A_181 : f32 to vector<16xf32>
      %broadcast_in_dim3A_184 = vector.broadcast %jit3A_182 : f32 to vector<16xf32>
      %select_n3A_185 = arith.select %and3A_179, %broadcast_in_dim3A_183, %broadcast_in_dim3A_184 : vector<16xi1>, vector<16xf32>
      tpu.vector_store_idx %arg5[%select_n3A_180], %select_n3A_185 {add = true} : memref<8208xf32, #tpu.memory_space<vmem>>[vector<16xi32>], vector<16xf32>,
      %and3A_186 = arith.andi %and3A, %eq3A_52 : vector<16xi1>
      %select_n3A_187 = arith.select %and3A_186, %select_n3A, %add3A_58 : vector<16xi1>, vector<16xi32>
      %jit3A_188 = arith.constant 1.000000e+00 : f32
      %jit3A_189 = arith.constant 0.000000e+00 : f32
      %broadcast_in_dim3A_190 = vector.broadcast %jit3A_188 : f32 to vector<16xf32>
      %broadcast_in_dim3A_191 = vector.broadcast %jit3A_189 : f32 to vector<16xf32>
      %select_n3A_192 = arith.select %and3A_186, %broadcast_in_dim3A_190, %broadcast_in_dim3A_191 : vector<16xi1>, vector<16xf32>
      tpu.vector_store_idx %arg5[%select_n3A_187], %select_n3A_192 {add = true} : memref<8208xf32, #tpu.memory_space<vmem>>[vector<16xi32>], vector<16xf32>,
      %and3A_193 = arith.andi %and3A, %eq3A_55 : vector<16xi1>
      %select_n3A_194 = arith.select %and3A_193, %select_n3A, %add3A_58 : vector<16xi1>, vector<16xi32>
      %jit3A_195 = arith.constant 1.000000e+00 : f32
      %jit3A_196 = arith.constant 0.000000e+00 : f32
      %broadcast_in_dim3A_197 = vector.broadcast %jit3A_195 : f32 to vector<16xf32>
      %broadcast_in_dim3A_198 = vector.broadcast %jit3A_196 : f32 to vector<16xf32>
      %select_n3A_199 = arith.select %and3A_193, %broadcast_in_dim3A_197, %broadcast_in_dim3A_198 : vector<16xi1>, vector<16xf32>
      tpu.vector_store_idx %arg5[%select_n3A_194], %select_n3A_199 {add = true} : memref<8208xf32, #tpu.memory_space<vmem>>[vector<16xi32>], vector<16xf32>,
      %scan3A_200 = arith.constant 0 : i32
      scf.yield %scan3A_200 : i32
    }
    %scan3A_65 = arith.constant 256 : i32
    %mul3A_66 = arith.constant 512 : i32
    %mul3A_67 = arith.muli %mul3A_2, %mul3A_66 : i32
    "tpu.region"() ({
      %run_scoped3A = tpu.sem_alloc : memref<!tpu.dma_semaphore, #tpu.memory_space<semaphore_mem>>
      %dma_start3A = arith.constant 0 : i32
      %dma_start3A_68 = tpu.memref_slice %arg5[%dma_start3A] : memref<8208xf32, #tpu.memory_space<vmem>> -> memref<8192xf32, #tpu.memory_space<vmem>>
      %dma_start3A_69 = tpu.memref_slice %arg3[%mul3A_67] : memref<262144xf32, #tpu.memory_space<hbm>> -> memref<8192xf32, #tpu.memory_space<hbm>>
      %dma_start3A_70 = tpu.memref_slice %arg3[%mul3A_67] : memref<262144xf32, #tpu.memory_space<hbm>> -> memref<8192xf32, #tpu.memory_space<hbm>>
      %dma_start3A_71 = arith.constant 0 : i32
      %dma_start3A_72 = tpu.memref_slice %arg5[%dma_start3A_71] : memref<8208xf32, #tpu.memory_space<vmem>> -> memref<8192xf32, #tpu.memory_space<vmem>>
      tpu.enqueue_dma source(%dma_start3A_72 : memref<8192xf32, #tpu.memory_space<vmem>>) target(%dma_start3A_70 : memref<8192xf32, #tpu.memory_space<hbm>>) target_semaphore(%run_scoped3A : memref<!tpu.dma_semaphore, #tpu.memory_space<semaphore_mem>>)
      %dma_wait3A = arith.constant 0 : i32
      %dma_wait3A_73 = tpu.memref_slice %arg5[%dma_wait3A] : memref<8208xf32, #tpu.memory_space<vmem>> -> memref<8192xf32, #tpu.memory_space<vmem>>
      %dma_wait3A_74 = tpu.memref_slice %arg3[%mul3A_67] : memref<262144xf32, #tpu.memory_space<hbm>> -> memref<8192xf32, #tpu.memory_space<hbm>>
      %dma_wait3A_75 = tpu.memref_slice %arg3[%mul3A_67] : memref<262144xf32, #tpu.memory_space<hbm>> -> memref<8192xf32, #tpu.memory_space<hbm>>
      %dma_wait3A_76 = arith.constant 0 : i32
      %dma_wait3A_77 = tpu.memref_slice %arg5[%dma_wait3A_76] : memref<8208xf32, #tpu.memory_space<vmem>> -> memref<8192xf32, #tpu.memory_space<vmem>>
      tpu.wait_dma2 semaphore(%run_scoped3A : memref<!tpu.dma_semaphore, #tpu.memory_space<semaphore_mem>>) src(%dma_wait3A_77 : memref<8192xf32, #tpu.memory_space<vmem>>) dst(%dma_wait3A_75 : memref<8192xf32, #tpu.memory_space<hbm>>)
      tpu.yield
    }) : () -> ()
    return
  }
}

module attributes {stable_mosaic.version = 14 : i64} {
  func.func @_y0_body(%arg0: memref<128x128xf32, #tpu.memory_space<vmem>>, %arg1: memref<512x8192xf32, #tpu.memory_space<vmem>>, %arg2: memref<512x8192xbf16, #tpu.memory_space<vmem>>) attributes {dimension_semantics = [], scalar_prefetch = 0 : i64, scratch_operands = 0 : i64, tpu.core_type = #tpu.core_type<tc>} {
    %scan3A = arith.constant 0 : i32
    %scan3A_0 = arith.constant 64 : i32
    %scan3A_1 = arith.addi %scan3A, %scan3A_0 : i32
    %scan3A_2 = arith.constant 1 : i32
    scf.for %scan3A_4 = %scan3A to %scan3A_1 step %scan3A_2  : i32 {
      %mul3A = arith.constant 128 : i32
      %mul3A_5 = arith.muli %scan3A_4, %mul3A : i32
      %get3A = arith.constant 0 : index
      %get3A_6 = arith.index_cast %mul3A_5 : i32 to index
      %get3A_7 = vector.load %arg1[%get3A, %get3A_6] : memref<512x8192xf32, #tpu.memory_space<vmem>>, vector<512x128xf32>
      %get3A_8 = arith.constant 0 : index
      %get3A_9 = arith.constant 0 : index
      %get3A_10 = vector.load %arg0[%get3A_8, %get3A_9] : memref<128x128xf32, #tpu.memory_space<vmem>>, vector<128x128xf32>
      %dot_general3A = arith.constant dense<0.000000e+00> : vector<512x128xf32>
      %dot_general3A_11 = tpu.matmul %get3A_7, %get3A_10, %dot_general3A {dimension_numbers = #tpu.dot_dimension_numbers<[1], [0], [0], [1], [0, 0, 1, 1], [], []>, transpose_lhs_hint = false} : vector<512x128xf32>, vector<128x128xf32>, vector<512x128xf32> -> vector<512x128xf32>
      %convert_element_type3A = arith.truncf %dot_general3A_11 : vector<512x128xf32> to vector<512x128xbf16>
      %swap3A = arith.constant 0 : index
      %swap3A_12 = arith.index_cast %mul3A_5 : i32 to index
      %swap3A_13 = vector.load %arg2[%swap3A, %swap3A_12] : memref<512x8192xbf16, #tpu.memory_space<vmem>>, vector<512x128xbf16>
      tpu.vector_store %arg2[%swap3A, %swap3A_12], %convert_element_type3A {strides = array<i32>} : memref<512x8192xbf16, #tpu.memory_space<vmem>>, vector<512x128xbf16>,
    }
    %scan3A_3 = arith.constant 64 : i32
    return
  }
}

module attributes {stable_mosaic.version = 14 : i64} {
  func.func @_body(%arg0: memref<3xf32, #tpu.memory_space<smem>>, %arg1: memref<512x512xf32, #tpu.memory_space<vmem>>, %arg2: memref<128x128xf32, #tpu.memory_space<vmem>>, %arg3: memref<128x128xf32, #tpu.memory_space<vmem>>, %arg4: memref<16x16xf32, #tpu.memory_space<vmem>>, %arg5: memref<3x8x16xf32, #tpu.memory_space<vmem>>, %arg6: memref<512x8192xbf16, #tpu.memory_space<any>>, %arg7: memref<512x16xf32, #tpu.memory_space<vmem>>, %arg8: memref<512x512xbf16, #tpu.memory_space<vmem>>, %arg9: memref<512x8192xbf16, #tpu.memory_space<vmem>>, %arg10: memref<512x8192xf32, #tpu.memory_space<vmem>>, %arg11: memref<512x16xf32, #tpu.memory_space<vmem>>, %arg12: memref<!tpu.dma_semaphore, #tpu.memory_space<semaphore_mem>>) attributes {dimension_semantics = [], scalar_prefetch = 0 : i64, scratch_operands = 5 : i64, tpu.core_type = #tpu.core_type<tc>} {
    tpu.enqueue_dma source(%arg6 : memref<512x8192xbf16, #tpu.memory_space<any>>) target(%arg9 : memref<512x8192xbf16, #tpu.memory_space<vmem>>) target_semaphore(%arg12 : memref<!tpu.dma_semaphore, #tpu.memory_space<semaphore_mem>>)
    %get3A = arith.constant 0 : index
    %get3A_0 = arith.constant 0 : index
    %get3A_1 = vector.load %arg1[%get3A, %get3A_0] : memref<512x512xf32, #tpu.memory_space<vmem>>, vector<512x512xf32>
    %convert_element_type3A = arith.truncf %get3A_1 : vector<512x512xf32> to vector<512x512xbf16>
    %swap3A = arith.constant 0 : index
    %swap3A_2 = arith.constant 0 : index
    %swap3A_3 = vector.load %arg8[%swap3A, %swap3A_2] : memref<512x512xbf16, #tpu.memory_space<vmem>>, vector<512x512xbf16>
    tpu.vector_store %arg8[%swap3A, %swap3A_2], %convert_element_type3A {strides = array<i32>} : memref<512x512xbf16, #tpu.memory_space<vmem>>, vector<512x512xbf16>,
    tpu.wait_dma2 semaphore(%arg12 : memref<!tpu.dma_semaphore, #tpu.memory_space<semaphore_mem>>) src(%arg6 : memref<512x8192xbf16, #tpu.memory_space<any>>) dst(%arg9 : memref<512x8192xbf16, #tpu.memory_space<vmem>>)
    %get3A_4 = arith.constant 0 : index
    %get3A_5 = memref.load %arg0[%get3A_4] : memref<3xf32, #tpu.memory_space<smem>>
    %broadcast_in_dim3A = arith.constant 0.000000e+00 : f32
    %broadcast_in_dim3A_6 = vector.broadcast %broadcast_in_dim3A : f32 to vector<1x2048xf32>
    %scan3A = arith.constant 0 : i32
    %scan3A_7 = arith.constant 4 : i32
    %scan3A_8 = arith.addi %scan3A, %scan3A_7 : i32
    %scan3A_9 = arith.constant 1 : i32
    %scan3A_10:2 = scf.for %scan3A_510 = %scan3A to %scan3A_8 step %scan3A_9 iter_args(%scan3A_511 = %broadcast_in_dim3A_6, %scan3A_512 = %broadcast_in_dim3A_6) -> (vector<1x2048xf32>, vector<1x2048xf32>)  : i32 {
      %mul3A_513 = arith.constant 2048 : i32
      %mul3A_514 = arith.muli %scan3A_510, %mul3A_513 : i32
      %get3A_515 = arith.constant 0 : index
      %get3A_516 = arith.index_cast %mul3A_514 : i32 to index
      %get3A_517 = vector.load %arg9[%get3A_515, %get3A_516] : memref<512x8192xbf16, #tpu.memory_space<vmem>>, vector<512x2048xbf16>
      %get3A_518 = arith.constant 0 : index
      %get3A_519 = arith.constant 0 : index
      %get3A_520 = vector.load %arg8[%get3A_518, %get3A_519] : memref<512x512xbf16, #tpu.memory_space<vmem>>, vector<512x512xbf16>
      %dot_general3A_521 = arith.constant dense<0.000000e+00> : vector<512x2048xf32>
      %dot_general3A_522 = tpu.matmul %get3A_520, %get3A_517, %dot_general3A_521 {dimension_numbers = #tpu.dot_dimension_numbers<[1], [0], [0], [1], [0, 0, 1, 1], [], []>, transpose_lhs_hint = false} : vector<512x512xbf16>, vector<512x2048xbf16>, vector<512x2048xf32> -> vector<512x2048xf32>
      %convert_element_type3A_523 = arith.extf %get3A_517 : vector<512x2048xbf16> to vector<512x2048xf32>
      %mul3A_524 = vector.broadcast %get3A_5 : f32 to vector<512x2048xf32>
      %mul3A_525 = arith.mulf %mul3A_524, %convert_element_type3A_523 : vector<512x2048xf32>
      %add3A_526 = arith.addf %dot_general3A_522, %mul3A_525 : vector<512x2048xf32>
      %swap3A_527 = arith.constant 0 : index
      %swap3A_528 = arith.index_cast %mul3A_514 : i32 to index
      %swap3A_529 = vector.load %arg10[%swap3A_527, %swap3A_528] : memref<512x8192xf32, #tpu.memory_space<vmem>>, vector<512x2048xf32>
      tpu.vector_store %arg10[%swap3A_527, %swap3A_528], %add3A_526 {strides = array<i32>} : memref<512x8192xf32, #tpu.memory_space<vmem>>, vector<512x2048xf32>,
      %reduce_sum3A = arith.constant dense<0.000000e+00> : vector<2048xf32>
      %reduce_sum3A_530 = vector.multi_reduction <add>, %add3A_526, %reduce_sum3A [0] : vector<512x2048xf32> to vector<2048xf32>
      %broadcast_in_dim3A_531 = vector.shape_cast %reduce_sum3A_530 : vector<2048xf32> to vector<1x2048xf32>
      %add3A_532 = arith.addf %scan3A_511, %broadcast_in_dim3A_531 : vector<1x2048xf32>
      %mul3A_533 = arith.mulf %add3A_526, %add3A_526 : vector<512x2048xf32>
      %reduce_sum3A_534 = arith.constant dense<0.000000e+00> : vector<2048xf32>
      %reduce_sum3A_535 = vector.multi_reduction <add>, %mul3A_533, %reduce_sum3A_534 [0] : vector<512x2048xf32> to vector<2048xf32>
      %broadcast_in_dim3A_536 = vector.shape_cast %reduce_sum3A_535 : vector<2048xf32> to vector<1x2048xf32>
      %add3A_537 = arith.addf %scan3A_512, %broadcast_in_dim3A_536 : vector<1x2048xf32>
      scf.yield %add3A_532, %add3A_537 : vector<1x2048xf32>, vector<1x2048xf32>
    }
    %scan3A_11 = arith.constant 4 : i32
    %iota3A = tpu.iota {dimensions = array<i32: 0>} : vector<2048x16xi32>
    %jit3A = arith.constant 16 : i32
    %eq3A = arith.constant 0 : i32
    %eq3A_12 = arith.cmpi eq, %jit3A, %eq3A : i32
    %jit3A_13 = arith.constant 1 : i32
    %select_n3A = arith.select %eq3A_12, %jit3A_13, %jit3A : i32
    %rem3A = vector.broadcast %select_n3A : i32 to vector<2048x16xi32>
    %rem3A_14 = arith.remsi %iota3A, %rem3A : vector<2048x16xi32>
    %ne3A = arith.constant 0 : i32
    %ne3A_15 = vector.broadcast %ne3A : i32 to vector<2048x16xi32>
    %ne3A_16 = arith.cmpi ne, %rem3A_14, %ne3A_15 : vector<2048x16xi32>
    %lt3A = arith.constant 0 : i32
    %lt3A_17 = vector.broadcast %lt3A : i32 to vector<2048x16xi32>
    %lt3A_18 = arith.cmpi slt, %rem3A_14, %lt3A_17 : vector<2048x16xi32>
    %lt3A_19 = arith.constant 0 : i32
    %lt3A_20 = arith.cmpi slt, %select_n3A, %lt3A_19 : i32
    %ne3A_21 = vector.broadcast %lt3A_20 : i1 to vector<2048x16xi1>
    %ne3A_22 = vector.broadcast %ne3A_21 : vector<2048x16xi1> to vector<2048x16xi1>
    %ne3A_23 = arith.xori %lt3A_18, %ne3A_22 : vector<2048x16xi1>
    %and3A = arith.andi %ne3A_23, %ne3A_16 : vector<2048x16xi1>
    %add3A = vector.broadcast %select_n3A : i32 to vector<2048x16xi32>
    %add3A_24 = arith.addi %rem3A_14, %add3A : vector<2048x16xi32>
    %select_n3A_25 = arith.select %and3A, %add3A_24, %rem3A_14 : vector<2048x16xi1>, vector<2048x16xi32>
    %iota3A_26 = tpu.iota {dimensions = array<i32: 1>} : vector<2048x16xi32>
    %jit3A_27 = arith.constant 16 : i32
    %eq3A_28 = arith.constant 0 : i32
    %eq3A_29 = arith.cmpi eq, %jit3A_27, %eq3A_28 : i32
    %jit3A_30 = arith.constant 1 : i32
    %select_n3A_31 = arith.select %eq3A_29, %jit3A_30, %jit3A_27 : i32
    %rem3A_32 = vector.broadcast %select_n3A_31 : i32 to vector<2048x16xi32>
    %rem3A_33 = arith.remsi %iota3A_26, %rem3A_32 : vector<2048x16xi32>
    %ne3A_34 = arith.constant 0 : i32
    %ne3A_35 = vector.broadcast %ne3A_34 : i32 to vector<2048x16xi32>
    %ne3A_36 = arith.cmpi ne, %rem3A_33, %ne3A_35 : vector<2048x16xi32>
    %lt3A_37 = arith.constant 0 : i32
    %lt3A_38 = vector.broadcast %lt3A_37 : i32 to vector<2048x16xi32>
    %lt3A_39 = arith.cmpi slt, %rem3A_33, %lt3A_38 : vector<2048x16xi32>
    %lt3A_40 = arith.constant 0 : i32
    %lt3A_41 = arith.cmpi slt, %select_n3A_31, %lt3A_40 : i32
    %ne3A_42 = vector.broadcast %lt3A_41 : i1 to vector<2048x16xi1>
    %ne3A_43 = vector.broadcast %ne3A_42 : vector<2048x16xi1> to vector<2048x16xi1>
    %ne3A_44 = arith.xori %lt3A_39, %ne3A_43 : vector<2048x16xi1>
    %and3A_45 = arith.andi %ne3A_44, %ne3A_36 : vector<2048x16xi1>
    %add3A_46 = vector.broadcast %select_n3A_31 : i32 to vector<2048x16xi32>
    %add3A_47 = arith.addi %rem3A_33, %add3A_46 : vector<2048x16xi32>
    %select_n3A_48 = arith.select %and3A_45, %add3A_47, %rem3A_33 : vector<2048x16xi1>, vector<2048x16xi32>
    %eq3A_49 = arith.cmpi eq, %select_n3A_25, %select_n3A_48 : vector<2048x16xi32>
    %convert_element_type3A_50 = arith.extui %eq3A_49 : vector<2048x16xi1> to vector<2048x16xi32>
    %convert_element_type3A_51 = arith.sitofp %convert_element_type3A_50 : vector<2048x16xi32> to vector<2048x16xf32>
    %dot_general3A = arith.constant dense<0.000000e+00> : vector<1x16xf32>
    %dot_general3A_52 = tpu.matmul %scan3A_10#0, %convert_element_type3A_51, %dot_general3A {dimension_numbers = #tpu.dot_dimension_numbers<[1], [0], [0], [1], [0, 0, 1, 1], [], []>, transpose_lhs_hint = false} : vector<1x2048xf32>, vector<2048x16xf32>, vector<1x16xf32> -> vector<1x16xf32>
    %dot_general3A_53 = arith.constant dense<0.000000e+00> : vector<1x16xf32>
    %dot_general3A_54 = tpu.matmul %scan3A_10#1, %convert_element_type3A_51, %dot_general3A_53 {dimension_numbers = #tpu.dot_dimension_numbers<[1], [0], [0], [1], [0, 0, 1, 1], [], []>, transpose_lhs_hint = false} : vector<1x2048xf32>, vector<2048x16xf32>, vector<1x16xf32> -> vector<1x16xf32>
    %div3A = arith.constant 2.621440e+05 : f32
    %div3A_55 = vector.broadcast %div3A : f32 to vector<1x16xf32>
    %div3A_56 = arith.divf %dot_general3A_52, %div3A_55 : vector<1x16xf32>
    %div3A_57 = arith.constant 2.621440e+05 : f32
    %div3A_58 = vector.broadcast %div3A_57 : f32 to vector<1x16xf32>
    %div3A_59 = arith.divf %dot_general3A_54, %div3A_58 : vector<1x16xf32>
    %mul3A = arith.mulf %div3A_56, %div3A_56 : vector<1x16xf32>
    %sub3A = arith.subf %div3A_59, %mul3A : vector<1x16xf32>
    %get3A_60 = arith.constant 0 : index
    %get3A_61 = arith.constant 0 : index
    %get3A_62 = arith.constant 0 : index
    %get3A_63 = vector.load %arg5[%get3A_60, %get3A_61, %get3A_62] : memref<3x8x16xf32, #tpu.memory_space<vmem>>, vector<1x1x16xf32>
    %get3A_64 = vector.shape_cast %get3A_63 : vector<1x1x16xf32> to vector<1x16xf32>
    %get3A_65 = arith.constant 0 : index
    %get3A_66 = arith.constant 1 : index
    %get3A_67 = arith.constant 0 : index
    %get3A_68 = vector.load %arg5[%get3A_65, %get3A_66, %get3A_67] : memref<3x8x16xf32, #tpu.memory_space<vmem>>, vector<1x1x16xf32>
    %get3A_69 = vector.shape_cast %get3A_68 : vector<1x1x16xf32> to vector<1x16xf32>
    %add3A_70 = arith.constant 9.99999974E-6 : f32
    %add3A_71 = vector.broadcast %add3A_70 : f32 to vector<1x16xf32>
    %add3A_72 = arith.addf %sub3A, %add3A_71 : vector<1x16xf32>
    %rsqrt3A = math.rsqrt %add3A_72 : vector<1x16xf32>
    %mul3A_73 = arith.mulf %rsqrt3A, %get3A_64 : vector<1x16xf32>
    %mul3A_74 = arith.mulf %div3A_56, %mul3A_73 : vector<1x16xf32>
    %sub3A_75 = arith.subf %get3A_69, %mul3A_74 : vector<1x16xf32>
    %iota3A_76 = tpu.iota {dimensions = array<i32: 0>} : vector<16x128xi32>
    %jit3A_77 = arith.constant 16 : i32
    %eq3A_78 = arith.constant 0 : i32
    %eq3A_79 = arith.cmpi eq, %jit3A_77, %eq3A_78 : i32
    %jit3A_80 = arith.constant 1 : i32
    %select_n3A_81 = arith.select %eq3A_79, %jit3A_80, %jit3A_77 : i32
    %rem3A_82 = vector.broadcast %select_n3A_81 : i32 to vector<16x128xi32>
    %rem3A_83 = arith.remsi %iota3A_76, %rem3A_82 : vector<16x128xi32>
    %ne3A_84 = arith.constant 0 : i32
    %ne3A_85 = vector.broadcast %ne3A_84 : i32 to vector<16x128xi32>
    %ne3A_86 = arith.cmpi ne, %rem3A_83, %ne3A_85 : vector<16x128xi32>
    %lt3A_87 = arith.constant 0 : i32
    %lt3A_88 = vector.broadcast %lt3A_87 : i32 to vector<16x128xi32>
    %lt3A_89 = arith.cmpi slt, %rem3A_83, %lt3A_88 : vector<16x128xi32>
    %lt3A_90 = arith.constant 0 : i32
    %lt3A_91 = arith.cmpi slt, %select_n3A_81, %lt3A_90 : i32
    %ne3A_92 = vector.broadcast %lt3A_91 : i1 to vector<16x128xi1>
    %ne3A_93 = vector.broadcast %ne3A_92 : vector<16x128xi1> to vector<16x128xi1>
    %ne3A_94 = arith.xori %lt3A_89, %ne3A_93 : vector<16x128xi1>
    %and3A_95 = arith.andi %ne3A_94, %ne3A_86 : vector<16x128xi1>
    %add3A_96 = vector.broadcast %select_n3A_81 : i32 to vector<16x128xi32>
    %add3A_97 = arith.addi %rem3A_83, %add3A_96 : vector<16x128xi32>
    %select_n3A_98 = arith.select %and3A_95, %add3A_97, %rem3A_83 : vector<16x128xi1>, vector<16x128xi32>
    %iota3A_99 = tpu.iota {dimensions = array<i32: 1>} : vector<16x128xi32>
    %jit3A_100 = arith.constant 16 : i32
    %eq3A_101 = arith.constant 0 : i32
    %eq3A_102 = arith.cmpi eq, %jit3A_100, %eq3A_101 : i32
    %jit3A_103 = arith.constant 1 : i32
    %select_n3A_104 = arith.select %eq3A_102, %jit3A_103, %jit3A_100 : i32
    %rem3A_105 = vector.broadcast %select_n3A_104 : i32 to vector<16x128xi32>
    %rem3A_106 = arith.remsi %iota3A_99, %rem3A_105 : vector<16x128xi32>
    %ne3A_107 = arith.constant 0 : i32
    %ne3A_108 = vector.broadcast %ne3A_107 : i32 to vector<16x128xi32>
    %ne3A_109 = arith.cmpi ne, %rem3A_106, %ne3A_108 : vector<16x128xi32>
    %lt3A_110 = arith.constant 0 : i32
    %lt3A_111 = vector.broadcast %lt3A_110 : i32 to vector<16x128xi32>
    %lt3A_112 = arith.cmpi slt, %rem3A_106, %lt3A_111 : vector<16x128xi32>
    %lt3A_113 = arith.constant 0 : i32
    %lt3A_114 = arith.cmpi slt, %select_n3A_104, %lt3A_113 : i32
    %ne3A_115 = vector.broadcast %lt3A_114 : i1 to vector<16x128xi1>
    %ne3A_116 = vector.broadcast %ne3A_115 : vector<16x128xi1> to vector<16x128xi1>
    %ne3A_117 = arith.xori %lt3A_112, %ne3A_116 : vector<16x128xi1>
    %and3A_118 = arith.andi %ne3A_117, %ne3A_109 : vector<16x128xi1>
    %add3A_119 = vector.broadcast %select_n3A_104 : i32 to vector<16x128xi32>
    %add3A_120 = arith.addi %rem3A_106, %add3A_119 : vector<16x128xi32>
    %select_n3A_121 = arith.select %and3A_118, %add3A_120, %rem3A_106 : vector<16x128xi1>, vector<16x128xi32>
    %eq3A_122 = arith.cmpi eq, %select_n3A_98, %select_n3A_121 : vector<16x128xi32>
    %convert_element_type3A_123 = arith.extui %eq3A_122 : vector<16x128xi1> to vector<16x128xi32>
    %convert_element_type3A_124 = arith.sitofp %convert_element_type3A_123 : vector<16x128xi32> to vector<16x128xf32>
    %dot_general3A_125 = arith.constant dense<0.000000e+00> : vector<1x128xf32>
    %dot_general3A_126 = tpu.matmul %mul3A_73, %convert_element_type3A_124, %dot_general3A_125 {dimension_numbers = #tpu.dot_dimension_numbers<[1], [0], [0], [1], [0, 0, 1, 1], [], []>, transpose_lhs_hint = false} : vector<1x16xf32>, vector<16x128xf32>, vector<1x128xf32> -> vector<1x128xf32>
    %dot_general3A_127 = arith.constant dense<0.000000e+00> : vector<1x128xf32>
    %dot_general3A_128 = tpu.matmul %sub3A_75, %convert_element_type3A_124, %dot_general3A_127 {dimension_numbers = #tpu.dot_dimension_numbers<[1], [0], [0], [1], [0, 0, 1, 1], [], []>, transpose_lhs_hint = false} : vector<1x16xf32>, vector<16x128xf32>, vector<1x128xf32> -> vector<1x128xf32>
    %get3A_129 = arith.constant 0 : index
    %get3A_130 = arith.constant 2 : index
    %get3A_131 = arith.constant 0 : index
    %get3A_132 = vector.load %arg5[%get3A_129, %get3A_130, %get3A_131] : memref<3x8x16xf32, #tpu.memory_space<vmem>>, vector<1x1x16xf32>
    %get3A_133 = vector.shape_cast %get3A_132 : vector<1x1x16xf32> to vector<1x16xf32>
    %dot_general3A_134 = arith.constant dense<0.000000e+00> : vector<1x128xf32>
    %dot_general3A_135 = tpu.matmul %get3A_133, %convert_element_type3A_124, %dot_general3A_134 {dimension_numbers = #tpu.dot_dimension_numbers<[1], [0], [0], [1], [0, 0, 1, 1], [], []>, transpose_lhs_hint = false} : vector<1x16xf32>, vector<16x128xf32>, vector<1x128xf32> -> vector<1x128xf32>
    %scan3A_136 = arith.constant 0 : i32
    %scan3A_137 = arith.constant 64 : i32
    %scan3A_138 = arith.addi %scan3A_136, %scan3A_137 : i32
    %scan3A_139 = arith.constant 1 : i32
    scf.for %scan3A_510 = %scan3A_136 to %scan3A_138 step %scan3A_139  : i32 {
      %mul3A_511 = arith.constant 128 : i32
      %mul3A_512 = arith.muli %scan3A_510, %mul3A_511 : i32
      %get3A_513 = arith.constant 0 : index
      %get3A_514 = arith.index_cast %mul3A_512 : i32 to index
      %get3A_515 = vector.load %arg10[%get3A_513, %get3A_514] : memref<512x8192xf32, #tpu.memory_space<vmem>>, vector<512x128xf32>
      %mul3A_516 = vector.broadcast %dot_general3A_126 : vector<1x128xf32> to vector<512x128xf32>
      %mul3A_517 = arith.mulf %get3A_515, %mul3A_516 : vector<512x128xf32>
      %add3A_518 = vector.broadcast %dot_general3A_128 : vector<1x128xf32> to vector<512x128xf32>
      %add3A_519 = arith.addf %mul3A_517, %add3A_518 : vector<512x128xf32>
      %max3A = arith.constant 0.000000e+00 : f32
      %max3A_520 = vector.broadcast %max3A : f32 to vector<512x128xf32>
      %max3A_521 = arith.maximumf %add3A_519, %max3A_520 : vector<512x128xf32>
      %get3A_522 = arith.constant 0 : index
      %get3A_523 = arith.constant 0 : index
      %get3A_524 = vector.load %arg2[%get3A_522, %get3A_523] : memref<128x128xf32, #tpu.memory_space<vmem>>, vector<128x128xf32>
      %dot_general3A_525 = arith.constant dense<0.000000e+00> : vector<512x128xf32>
      %dot_general3A_526 = tpu.matmul %max3A_521, %get3A_524, %dot_general3A_525 {dimension_numbers = #tpu.dot_dimension_numbers<[1], [0], [0], [1], [0, 0, 1, 1], [], []>, transpose_lhs_hint = false} : vector<512x128xf32>, vector<128x128xf32>, vector<512x128xf32> -> vector<512x128xf32>
      %add3A_527 = vector.broadcast %dot_general3A_135 : vector<1x128xf32> to vector<512x128xf32>
      %add3A_528 = arith.addf %dot_general3A_526, %add3A_527 : vector<512x128xf32>
      %convert_element_type3A_529 = arith.truncf %add3A_528 : vector<512x128xf32> to vector<512x128xbf16>
      %swap3A_530 = arith.constant 0 : index
      %swap3A_531 = arith.index_cast %mul3A_512 : i32 to index
      %swap3A_532 = vector.load %arg9[%swap3A_530, %swap3A_531] : memref<512x8192xbf16, #tpu.memory_space<vmem>>, vector<512x128xbf16>
      tpu.vector_store %arg9[%swap3A_530, %swap3A_531], %convert_element_type3A_529 {strides = array<i32>} : memref<512x8192xbf16, #tpu.memory_space<vmem>>, vector<512x128xbf16>,
    }
    %scan3A_140 = arith.constant 64 : i32
    %get3A_141 = arith.constant 1 : index
    %get3A_142 = memref.load %arg0[%get3A_141] : memref<3xf32, #tpu.memory_space<smem>>
    %broadcast_in_dim3A_143 = arith.constant 0.000000e+00 : f32
    %broadcast_in_dim3A_144 = vector.broadcast %broadcast_in_dim3A_143 : f32 to vector<1x2048xf32>
    %scan3A_145 = arith.constant 0 : i32
    %scan3A_146 = arith.constant 4 : i32
    %scan3A_147 = arith.addi %scan3A_145, %scan3A_146 : i32
    %scan3A_148 = arith.constant 1 : i32
    %scan3A_149:2 = scf.for %scan3A_510 = %scan3A_145 to %scan3A_147 step %scan3A_148 iter_args(%scan3A_511 = %broadcast_in_dim3A_144, %scan3A_512 = %broadcast_in_dim3A_144) -> (vector<1x2048xf32>, vector<1x2048xf32>)  : i32 {
      %mul3A_513 = arith.constant 2048 : i32
      %mul3A_514 = arith.muli %scan3A_510, %mul3A_513 : i32
      %get3A_515 = arith.constant 0 : index
      %get3A_516 = arith.index_cast %mul3A_514 : i32 to index
      %get3A_517 = vector.load %arg9[%get3A_515, %get3A_516] : memref<512x8192xbf16, #tpu.memory_space<vmem>>, vector<512x2048xbf16>
      %get3A_518 = arith.constant 0 : index
      %get3A_519 = arith.constant 0 : index
      %get3A_520 = vector.load %arg8[%get3A_518, %get3A_519] : memref<512x512xbf16, #tpu.memory_space<vmem>>, vector<512x512xbf16>
      %dot_general3A_521 = arith.constant dense<0.000000e+00> : vector<512x2048xf32>
      %dot_general3A_522 = tpu.matmul %get3A_520, %get3A_517, %dot_general3A_521 {dimension_numbers = #tpu.dot_dimension_numbers<[1], [0], [0], [1], [0, 0, 1, 1], [], []>, transpose_lhs_hint = false} : vector<512x512xbf16>, vector<512x2048xbf16>, vector<512x2048xf32> -> vector<512x2048xf32>
      %convert_element_type3A_523 = arith.extf %get3A_517 : vector<512x2048xbf16> to vector<512x2048xf32>
      %mul3A_524 = vector.broadcast %get3A_142 : f32 to vector<512x2048xf32>
      %mul3A_525 = arith.mulf %mul3A_524, %convert_element_type3A_523 : vector<512x2048xf32>
      %add3A_526 = arith.addf %dot_general3A_522, %mul3A_525 : vector<512x2048xf32>
      %swap3A_527 = arith.constant 0 : index
      %swap3A_528 = arith.index_cast %mul3A_514 : i32 to index
      %swap3A_529 = vector.load %arg10[%swap3A_527, %swap3A_528] : memref<512x8192xf32, #tpu.memory_space<vmem>>, vector<512x2048xf32>
      tpu.vector_store %arg10[%swap3A_527, %swap3A_528], %add3A_526 {strides = array<i32>} : memref<512x8192xf32, #tpu.memory_space<vmem>>, vector<512x2048xf32>,
      %reduce_sum3A = arith.constant dense<0.000000e+00> : vector<2048xf32>
      %reduce_sum3A_530 = vector.multi_reduction <add>, %add3A_526, %reduce_sum3A [0] : vector<512x2048xf32> to vector<2048xf32>
      %broadcast_in_dim3A_531 = vector.shape_cast %reduce_sum3A_530 : vector<2048xf32> to vector<1x2048xf32>
      %add3A_532 = arith.addf %scan3A_511, %broadcast_in_dim3A_531 : vector<1x2048xf32>
      %mul3A_533 = arith.mulf %add3A_526, %add3A_526 : vector<512x2048xf32>
      %reduce_sum3A_534 = arith.constant dense<0.000000e+00> : vector<2048xf32>
      %reduce_sum3A_535 = vector.multi_reduction <add>, %mul3A_533, %reduce_sum3A_534 [0] : vector<512x2048xf32> to vector<2048xf32>
      %broadcast_in_dim3A_536 = vector.shape_cast %reduce_sum3A_535 : vector<2048xf32> to vector<1x2048xf32>
      %add3A_537 = arith.addf %scan3A_512, %broadcast_in_dim3A_536 : vector<1x2048xf32>
      scf.yield %add3A_532, %add3A_537 : vector<1x2048xf32>, vector<1x2048xf32>
    }
    %scan3A_150 = arith.constant 4 : i32
    %iota3A_151 = tpu.iota {dimensions = array<i32: 0>} : vector<2048x16xi32>
    %jit3A_152 = arith.constant 16 : i32
    %eq3A_153 = arith.constant 0 : i32
    %eq3A_154 = arith.cmpi eq, %jit3A_152, %eq3A_153 : i32
    %jit3A_155 = arith.constant 1 : i32
    %select_n3A_156 = arith.select %eq3A_154, %jit3A_155, %jit3A_152 : i32
    %rem3A_157 = vector.broadcast %select_n3A_156 : i32 to vector<2048x16xi32>
    %rem3A_158 = arith.remsi %iota3A_151, %rem3A_157 : vector<2048x16xi32>
    %ne3A_159 = arith.constant 0 : i32
    %ne3A_160 = vector.broadcast %ne3A_159 : i32 to vector<2048x16xi32>
    %ne3A_161 = arith.cmpi ne, %rem3A_158, %ne3A_160 : vector<2048x16xi32>
    %lt3A_162 = arith.constant 0 : i32
    %lt3A_163 = vector.broadcast %lt3A_162 : i32 to vector<2048x16xi32>
    %lt3A_164 = arith.cmpi slt, %rem3A_158, %lt3A_163 : vector<2048x16xi32>
    %lt3A_165 = arith.constant 0 : i32
    %lt3A_166 = arith.cmpi slt, %select_n3A_156, %lt3A_165 : i32
    %ne3A_167 = vector.broadcast %lt3A_166 : i1 to vector<2048x16xi1>
    %ne3A_168 = vector.broadcast %ne3A_167 : vector<2048x16xi1> to vector<2048x16xi1>
    %ne3A_169 = arith.xori %lt3A_164, %ne3A_168 : vector<2048x16xi1>
    %and3A_170 = arith.andi %ne3A_169, %ne3A_161 : vector<2048x16xi1>
    %add3A_171 = vector.broadcast %select_n3A_156 : i32 to vector<2048x16xi32>
    %add3A_172 = arith.addi %rem3A_158, %add3A_171 : vector<2048x16xi32>
    %select_n3A_173 = arith.select %and3A_170, %add3A_172, %rem3A_158 : vector<2048x16xi1>, vector<2048x16xi32>
    %iota3A_174 = tpu.iota {dimensions = array<i32: 1>} : vector<2048x16xi32>
    %jit3A_175 = arith.constant 16 : i32
    %eq3A_176 = arith.constant 0 : i32
    %eq3A_177 = arith.cmpi eq, %jit3A_175, %eq3A_176 : i32
    %jit3A_178 = arith.constant 1 : i32
    %select_n3A_179 = arith.select %eq3A_177, %jit3A_178, %jit3A_175 : i32
    %rem3A_180 = vector.broadcast %select_n3A_179 : i32 to vector<2048x16xi32>
    %rem3A_181 = arith.remsi %iota3A_174, %rem3A_180 : vector<2048x16xi32>
    %ne3A_182 = arith.constant 0 : i32
    %ne3A_183 = vector.broadcast %ne3A_182 : i32 to vector<2048x16xi32>
    %ne3A_184 = arith.cmpi ne, %rem3A_181, %ne3A_183 : vector<2048x16xi32>
    %lt3A_185 = arith.constant 0 : i32
    %lt3A_186 = vector.broadcast %lt3A_185 : i32 to vector<2048x16xi32>
    %lt3A_187 = arith.cmpi slt, %rem3A_181, %lt3A_186 : vector<2048x16xi32>
    %lt3A_188 = arith.constant 0 : i32
    %lt3A_189 = arith.cmpi slt, %select_n3A_179, %lt3A_188 : i32
    %ne3A_190 = vector.broadcast %lt3A_189 : i1 to vector<2048x16xi1>
    %ne3A_191 = vector.broadcast %ne3A_190 : vector<2048x16xi1> to vector<2048x16xi1>
    %ne3A_192 = arith.xori %lt3A_187, %ne3A_191 : vector<2048x16xi1>
    %and3A_193 = arith.andi %ne3A_192, %ne3A_184 : vector<2048x16xi1>
    %add3A_194 = vector.broadcast %select_n3A_179 : i32 to vector<2048x16xi32>
    %add3A_195 = arith.addi %rem3A_181, %add3A_194 : vector<2048x16xi32>
    %select_n3A_196 = arith.select %and3A_193, %add3A_195, %rem3A_181 : vector<2048x16xi1>, vector<2048x16xi32>
    %eq3A_197 = arith.cmpi eq, %select_n3A_173, %select_n3A_196 : vector<2048x16xi32>
    %convert_element_type3A_198 = arith.extui %eq3A_197 : vector<2048x16xi1> to vector<2048x16xi32>
    %convert_element_type3A_199 = arith.sitofp %convert_element_type3A_198 : vector<2048x16xi32> to vector<2048x16xf32>
    %dot_general3A_200 = arith.constant dense<0.000000e+00> : vector<1x16xf32>
    %dot_general3A_201 = tpu.matmul %scan3A_149#0, %convert_element_type3A_199, %dot_general3A_200 {dimension_numbers = #tpu.dot_dimension_numbers<[1], [0], [0], [1], [0, 0, 1, 1], [], []>, transpose_lhs_hint = false} : vector<1x2048xf32>, vector<2048x16xf32>, vector<1x16xf32> -> vector<1x16xf32>
    %dot_general3A_202 = arith.constant dense<0.000000e+00> : vector<1x16xf32>
    %dot_general3A_203 = tpu.matmul %scan3A_149#1, %convert_element_type3A_199, %dot_general3A_202 {dimension_numbers = #tpu.dot_dimension_numbers<[1], [0], [0], [1], [0, 0, 1, 1], [], []>, transpose_lhs_hint = false} : vector<1x2048xf32>, vector<2048x16xf32>, vector<1x16xf32> -> vector<1x16xf32>
    %div3A_204 = arith.constant 2.621440e+05 : f32
    %div3A_205 = vector.broadcast %div3A_204 : f32 to vector<1x16xf32>
    %div3A_206 = arith.divf %dot_general3A_201, %div3A_205 : vector<1x16xf32>
    %div3A_207 = arith.constant 2.621440e+05 : f32
    %div3A_208 = vector.broadcast %div3A_207 : f32 to vector<1x16xf32>
    %div3A_209 = arith.divf %dot_general3A_203, %div3A_208 : vector<1x16xf32>
    %mul3A_210 = arith.mulf %div3A_206, %div3A_206 : vector<1x16xf32>
    %sub3A_211 = arith.subf %div3A_209, %mul3A_210 : vector<1x16xf32>
    %get3A_212 = arith.constant 1 : index
    %get3A_213 = arith.constant 0 : index
    %get3A_214 = arith.constant 0 : index
    %get3A_215 = vector.load %arg5[%get3A_212, %get3A_213, %get3A_214] : memref<3x8x16xf32, #tpu.memory_space<vmem>>, vector<1x1x16xf32>
    %get3A_216 = vector.shape_cast %get3A_215 : vector<1x1x16xf32> to vector<1x16xf32>
    %get3A_217 = arith.constant 1 : index
    %get3A_218 = arith.constant 1 : index
    %get3A_219 = arith.constant 0 : index
    %get3A_220 = vector.load %arg5[%get3A_217, %get3A_218, %get3A_219] : memref<3x8x16xf32, #tpu.memory_space<vmem>>, vector<1x1x16xf32>
    %get3A_221 = vector.shape_cast %get3A_220 : vector<1x1x16xf32> to vector<1x16xf32>
    %add3A_222 = arith.constant 9.99999974E-6 : f32
    %add3A_223 = vector.broadcast %add3A_222 : f32 to vector<1x16xf32>
    %add3A_224 = arith.addf %sub3A_211, %add3A_223 : vector<1x16xf32>
    %rsqrt3A_225 = math.rsqrt %add3A_224 : vector<1x16xf32>
    %mul3A_226 = arith.mulf %rsqrt3A_225, %get3A_216 : vector<1x16xf32>
    %mul3A_227 = arith.mulf %div3A_206, %mul3A_226 : vector<1x16xf32>
    %sub3A_228 = arith.subf %get3A_221, %mul3A_227 : vector<1x16xf32>
    %iota3A_229 = tpu.iota {dimensions = array<i32: 0>} : vector<16x128xi32>
    %jit3A_230 = arith.constant 16 : i32
    %eq3A_231 = arith.constant 0 : i32
    %eq3A_232 = arith.cmpi eq, %jit3A_230, %eq3A_231 : i32
    %jit3A_233 = arith.constant 1 : i32
    %select_n3A_234 = arith.select %eq3A_232, %jit3A_233, %jit3A_230 : i32
    %rem3A_235 = vector.broadcast %select_n3A_234 : i32 to vector<16x128xi32>
    %rem3A_236 = arith.remsi %iota3A_229, %rem3A_235 : vector<16x128xi32>
    %ne3A_237 = arith.constant 0 : i32
    %ne3A_238 = vector.broadcast %ne3A_237 : i32 to vector<16x128xi32>
    %ne3A_239 = arith.cmpi ne, %rem3A_236, %ne3A_238 : vector<16x128xi32>
    %lt3A_240 = arith.constant 0 : i32
    %lt3A_241 = vector.broadcast %lt3A_240 : i32 to vector<16x128xi32>
    %lt3A_242 = arith.cmpi slt, %rem3A_236, %lt3A_241 : vector<16x128xi32>
    %lt3A_243 = arith.constant 0 : i32
    %lt3A_244 = arith.cmpi slt, %select_n3A_234, %lt3A_243 : i32
    %ne3A_245 = vector.broadcast %lt3A_244 : i1 to vector<16x128xi1>
    %ne3A_246 = vector.broadcast %ne3A_245 : vector<16x128xi1> to vector<16x128xi1>
    %ne3A_247 = arith.xori %lt3A_242, %ne3A_246 : vector<16x128xi1>
    %and3A_248 = arith.andi %ne3A_247, %ne3A_239 : vector<16x128xi1>
    %add3A_249 = vector.broadcast %select_n3A_234 : i32 to vector<16x128xi32>
    %add3A_250 = arith.addi %rem3A_236, %add3A_249 : vector<16x128xi32>
    %select_n3A_251 = arith.select %and3A_248, %add3A_250, %rem3A_236 : vector<16x128xi1>, vector<16x128xi32>
    %iota3A_252 = tpu.iota {dimensions = array<i32: 1>} : vector<16x128xi32>
    %jit3A_253 = arith.constant 16 : i32
    %eq3A_254 = arith.constant 0 : i32
    %eq3A_255 = arith.cmpi eq, %jit3A_253, %eq3A_254 : i32
    %jit3A_256 = arith.constant 1 : i32
    %select_n3A_257 = arith.select %eq3A_255, %jit3A_256, %jit3A_253 : i32
    %rem3A_258 = vector.broadcast %select_n3A_257 : i32 to vector<16x128xi32>
    %rem3A_259 = arith.remsi %iota3A_252, %rem3A_258 : vector<16x128xi32>
    %ne3A_260 = arith.constant 0 : i32
    %ne3A_261 = vector.broadcast %ne3A_260 : i32 to vector<16x128xi32>
    %ne3A_262 = arith.cmpi ne, %rem3A_259, %ne3A_261 : vector<16x128xi32>
    %lt3A_263 = arith.constant 0 : i32
    %lt3A_264 = vector.broadcast %lt3A_263 : i32 to vector<16x128xi32>
    %lt3A_265 = arith.cmpi slt, %rem3A_259, %lt3A_264 : vector<16x128xi32>
    %lt3A_266 = arith.constant 0 : i32
    %lt3A_267 = arith.cmpi slt, %select_n3A_257, %lt3A_266 : i32
    %ne3A_268 = vector.broadcast %lt3A_267 : i1 to vector<16x128xi1>
    %ne3A_269 = vector.broadcast %ne3A_268 : vector<16x128xi1> to vector<16x128xi1>
    %ne3A_270 = arith.xori %lt3A_265, %ne3A_269 : vector<16x128xi1>
    %and3A_271 = arith.andi %ne3A_270, %ne3A_262 : vector<16x128xi1>
    %add3A_272 = vector.broadcast %select_n3A_257 : i32 to vector<16x128xi32>
    %add3A_273 = arith.addi %rem3A_259, %add3A_272 : vector<16x128xi32>
    %select_n3A_274 = arith.select %and3A_271, %add3A_273, %rem3A_259 : vector<16x128xi1>, vector<16x128xi32>
    %eq3A_275 = arith.cmpi eq, %select_n3A_251, %select_n3A_274 : vector<16x128xi32>
    %convert_element_type3A_276 = arith.extui %eq3A_275 : vector<16x128xi1> to vector<16x128xi32>
    %convert_element_type3A_277 = arith.sitofp %convert_element_type3A_276 : vector<16x128xi32> to vector<16x128xf32>
    %dot_general3A_278 = arith.constant dense<0.000000e+00> : vector<1x128xf32>
    %dot_general3A_279 = tpu.matmul %mul3A_226, %convert_element_type3A_277, %dot_general3A_278 {dimension_numbers = #tpu.dot_dimension_numbers<[1], [0], [0], [1], [0, 0, 1, 1], [], []>, transpose_lhs_hint = false} : vector<1x16xf32>, vector<16x128xf32>, vector<1x128xf32> -> vector<1x128xf32>
    %dot_general3A_280 = arith.constant dense<0.000000e+00> : vector<1x128xf32>
    %dot_general3A_281 = tpu.matmul %sub3A_228, %convert_element_type3A_277, %dot_general3A_280 {dimension_numbers = #tpu.dot_dimension_numbers<[1], [0], [0], [1], [0, 0, 1, 1], [], []>, transpose_lhs_hint = false} : vector<1x16xf32>, vector<16x128xf32>, vector<1x128xf32> -> vector<1x128xf32>
    %get3A_282 = arith.constant 1 : index
    %get3A_283 = arith.constant 2 : index
    %get3A_284 = arith.constant 0 : index
    %get3A_285 = vector.load %arg5[%get3A_282, %get3A_283, %get3A_284] : memref<3x8x16xf32, #tpu.memory_space<vmem>>, vector<1x1x16xf32>
    %get3A_286 = vector.shape_cast %get3A_285 : vector<1x1x16xf32> to vector<1x16xf32>
    %dot_general3A_287 = arith.constant dense<0.000000e+00> : vector<1x128xf32>
    %dot_general3A_288 = tpu.matmul %get3A_286, %convert_element_type3A_277, %dot_general3A_287 {dimension_numbers = #tpu.dot_dimension_numbers<[1], [0], [0], [1], [0, 0, 1, 1], [], []>, transpose_lhs_hint = false} : vector<1x16xf32>, vector<16x128xf32>, vector<1x128xf32> -> vector<1x128xf32>
    %scan3A_289 = arith.constant 0 : i32
    %scan3A_290 = arith.constant 64 : i32
    %scan3A_291 = arith.addi %scan3A_289, %scan3A_290 : i32
    %scan3A_292 = arith.constant 1 : i32
    scf.for %scan3A_510 = %scan3A_289 to %scan3A_291 step %scan3A_292  : i32 {
      %mul3A_511 = arith.constant 128 : i32
      %mul3A_512 = arith.muli %scan3A_510, %mul3A_511 : i32
      %get3A_513 = arith.constant 0 : index
      %get3A_514 = arith.index_cast %mul3A_512 : i32 to index
      %get3A_515 = vector.load %arg10[%get3A_513, %get3A_514] : memref<512x8192xf32, #tpu.memory_space<vmem>>, vector<512x128xf32>
      %mul3A_516 = vector.broadcast %dot_general3A_279 : vector<1x128xf32> to vector<512x128xf32>
      %mul3A_517 = arith.mulf %get3A_515, %mul3A_516 : vector<512x128xf32>
      %add3A_518 = vector.broadcast %dot_general3A_281 : vector<1x128xf32> to vector<512x128xf32>
      %add3A_519 = arith.addf %mul3A_517, %add3A_518 : vector<512x128xf32>
      %max3A = arith.constant 0.000000e+00 : f32
      %max3A_520 = vector.broadcast %max3A : f32 to vector<512x128xf32>
      %max3A_521 = arith.maximumf %add3A_519, %max3A_520 : vector<512x128xf32>
      %get3A_522 = arith.constant 0 : index
      %get3A_523 = arith.constant 0 : index
      %get3A_524 = vector.load %arg3[%get3A_522, %get3A_523] : memref<128x128xf32, #tpu.memory_space<vmem>>, vector<128x128xf32>
      %dot_general3A_525 = arith.constant dense<0.000000e+00> : vector<512x128xf32>
      %dot_general3A_526 = tpu.matmul %max3A_521, %get3A_524, %dot_general3A_525 {dimension_numbers = #tpu.dot_dimension_numbers<[1], [0], [0], [1], [0, 0, 1, 1], [], []>, transpose_lhs_hint = false} : vector<512x128xf32>, vector<128x128xf32>, vector<512x128xf32> -> vector<512x128xf32>
      %add3A_527 = vector.broadcast %dot_general3A_288 : vector<1x128xf32> to vector<512x128xf32>
      %add3A_528 = arith.addf %dot_general3A_526, %add3A_527 : vector<512x128xf32>
      %convert_element_type3A_529 = arith.truncf %add3A_528 : vector<512x128xf32> to vector<512x128xbf16>
      %swap3A_530 = arith.constant 0 : index
      %swap3A_531 = arith.index_cast %mul3A_512 : i32 to index
      %swap3A_532 = vector.load %arg9[%swap3A_530, %swap3A_531] : memref<512x8192xbf16, #tpu.memory_space<vmem>>, vector<512x128xbf16>
      tpu.vector_store %arg9[%swap3A_530, %swap3A_531], %convert_element_type3A_529 {strides = array<i32>} : memref<512x8192xbf16, #tpu.memory_space<vmem>>, vector<512x128xbf16>,
    }
    %scan3A_293 = arith.constant 64 : i32
    %get3A_294 = arith.constant 2 : index
    %get3A_295 = memref.load %arg0[%get3A_294] : memref<3xf32, #tpu.memory_space<smem>>
    %broadcast_in_dim3A_296 = arith.constant 0.000000e+00 : f32
    %broadcast_in_dim3A_297 = vector.broadcast %broadcast_in_dim3A_296 : f32 to vector<1x2048xf32>
    %scan3A_298 = arith.constant 0 : i32
    %scan3A_299 = arith.constant 4 : i32
    %scan3A_300 = arith.addi %scan3A_298, %scan3A_299 : i32
    %scan3A_301 = arith.constant 1 : i32
    %scan3A_302:2 = scf.for %scan3A_510 = %scan3A_298 to %scan3A_300 step %scan3A_301 iter_args(%scan3A_511 = %broadcast_in_dim3A_297, %scan3A_512 = %broadcast_in_dim3A_297) -> (vector<1x2048xf32>, vector<1x2048xf32>)  : i32 {
      %mul3A_513 = arith.constant 2048 : i32
      %mul3A_514 = arith.muli %scan3A_510, %mul3A_513 : i32
      %get3A_515 = arith.constant 0 : index
      %get3A_516 = arith.index_cast %mul3A_514 : i32 to index
      %get3A_517 = vector.load %arg9[%get3A_515, %get3A_516] : memref<512x8192xbf16, #tpu.memory_space<vmem>>, vector<512x2048xbf16>
      %get3A_518 = arith.constant 0 : index
      %get3A_519 = arith.constant 0 : index
      %get3A_520 = vector.load %arg8[%get3A_518, %get3A_519] : memref<512x512xbf16, #tpu.memory_space<vmem>>, vector<512x512xbf16>
      %dot_general3A_521 = arith.constant dense<0.000000e+00> : vector<512x2048xf32>
      %dot_general3A_522 = tpu.matmul %get3A_520, %get3A_517, %dot_general3A_521 {dimension_numbers = #tpu.dot_dimension_numbers<[1], [0], [0], [1], [0, 0, 1, 1], [], []>, transpose_lhs_hint = false} : vector<512x512xbf16>, vector<512x2048xbf16>, vector<512x2048xf32> -> vector<512x2048xf32>
      %convert_element_type3A_523 = arith.extf %get3A_517 : vector<512x2048xbf16> to vector<512x2048xf32>
      %mul3A_524 = vector.broadcast %get3A_295 : f32 to vector<512x2048xf32>
      %mul3A_525 = arith.mulf %mul3A_524, %convert_element_type3A_523 : vector<512x2048xf32>
      %add3A_526 = arith.addf %dot_general3A_522, %mul3A_525 : vector<512x2048xf32>
      %swap3A_527 = arith.constant 0 : index
      %swap3A_528 = arith.index_cast %mul3A_514 : i32 to index
      %swap3A_529 = vector.load %arg10[%swap3A_527, %swap3A_528] : memref<512x8192xf32, #tpu.memory_space<vmem>>, vector<512x2048xf32>
      tpu.vector_store %arg10[%swap3A_527, %swap3A_528], %add3A_526 {strides = array<i32>} : memref<512x8192xf32, #tpu.memory_space<vmem>>, vector<512x2048xf32>,
      %reduce_sum3A = arith.constant dense<0.000000e+00> : vector<2048xf32>
      %reduce_sum3A_530 = vector.multi_reduction <add>, %add3A_526, %reduce_sum3A [0] : vector<512x2048xf32> to vector<2048xf32>
      %broadcast_in_dim3A_531 = vector.shape_cast %reduce_sum3A_530 : vector<2048xf32> to vector<1x2048xf32>
      %add3A_532 = arith.addf %scan3A_511, %broadcast_in_dim3A_531 : vector<1x2048xf32>
      %mul3A_533 = arith.mulf %add3A_526, %add3A_526 : vector<512x2048xf32>
      %reduce_sum3A_534 = arith.constant dense<0.000000e+00> : vector<2048xf32>
      %reduce_sum3A_535 = vector.multi_reduction <add>, %mul3A_533, %reduce_sum3A_534 [0] : vector<512x2048xf32> to vector<2048xf32>
      %broadcast_in_dim3A_536 = vector.shape_cast %reduce_sum3A_535 : vector<2048xf32> to vector<1x2048xf32>
      %add3A_537 = arith.addf %scan3A_512, %broadcast_in_dim3A_536 : vector<1x2048xf32>
      scf.yield %add3A_532, %add3A_537 : vector<1x2048xf32>, vector<1x2048xf32>
    }
    %scan3A_303 = arith.constant 4 : i32
    %iota3A_304 = tpu.iota {dimensions = array<i32: 0>} : vector<2048x16xi32>
    %jit3A_305 = arith.constant 16 : i32
    %eq3A_306 = arith.constant 0 : i32
    %eq3A_307 = arith.cmpi eq, %jit3A_305, %eq3A_306 : i32
    %jit3A_308 = arith.constant 1 : i32
    %select_n3A_309 = arith.select %eq3A_307, %jit3A_308, %jit3A_305 : i32
    %rem3A_310 = vector.broadcast %select_n3A_309 : i32 to vector<2048x16xi32>
    %rem3A_311 = arith.remsi %iota3A_304, %rem3A_310 : vector<2048x16xi32>
    %ne3A_312 = arith.constant 0 : i32
    %ne3A_313 = vector.broadcast %ne3A_312 : i32 to vector<2048x16xi32>
    %ne3A_314 = arith.cmpi ne, %rem3A_311, %ne3A_313 : vector<2048x16xi32>
    %lt3A_315 = arith.constant 0 : i32
    %lt3A_316 = vector.broadcast %lt3A_315 : i32 to vector<2048x16xi32>
    %lt3A_317 = arith.cmpi slt, %rem3A_311, %lt3A_316 : vector<2048x16xi32>
    %lt3A_318 = arith.constant 0 : i32
    %lt3A_319 = arith.cmpi slt, %select_n3A_309, %lt3A_318 : i32
    %ne3A_320 = vector.broadcast %lt3A_319 : i1 to vector<2048x16xi1>
    %ne3A_321 = vector.broadcast %ne3A_320 : vector<2048x16xi1> to vector<2048x16xi1>
    %ne3A_322 = arith.xori %lt3A_317, %ne3A_321 : vector<2048x16xi1>
    %and3A_323 = arith.andi %ne3A_322, %ne3A_314 : vector<2048x16xi1>
    %add3A_324 = vector.broadcast %select_n3A_309 : i32 to vector<2048x16xi32>
    %add3A_325 = arith.addi %rem3A_311, %add3A_324 : vector<2048x16xi32>
    %select_n3A_326 = arith.select %and3A_323, %add3A_325, %rem3A_311 : vector<2048x16xi1>, vector<2048x16xi32>
    %iota3A_327 = tpu.iota {dimensions = array<i32: 1>} : vector<2048x16xi32>
    %jit3A_328 = arith.constant 16 : i32
    %eq3A_329 = arith.constant 0 : i32
    %eq3A_330 = arith.cmpi eq, %jit3A_328, %eq3A_329 : i32
    %jit3A_331 = arith.constant 1 : i32
    %select_n3A_332 = arith.select %eq3A_330, %jit3A_331, %jit3A_328 : i32
    %rem3A_333 = vector.broadcast %select_n3A_332 : i32 to vector<2048x16xi32>
    %rem3A_334 = arith.remsi %iota3A_327, %rem3A_333 : vector<2048x16xi32>
    %ne3A_335 = arith.constant 0 : i32
    %ne3A_336 = vector.broadcast %ne3A_335 : i32 to vector<2048x16xi32>
    %ne3A_337 = arith.cmpi ne, %rem3A_334, %ne3A_336 : vector<2048x16xi32>
    %lt3A_338 = arith.constant 0 : i32
    %lt3A_339 = vector.broadcast %lt3A_338 : i32 to vector<2048x16xi32>
    %lt3A_340 = arith.cmpi slt, %rem3A_334, %lt3A_339 : vector<2048x16xi32>
    %lt3A_341 = arith.constant 0 : i32
    %lt3A_342 = arith.cmpi slt, %select_n3A_332, %lt3A_341 : i32
    %ne3A_343 = vector.broadcast %lt3A_342 : i1 to vector<2048x16xi1>
    %ne3A_344 = vector.broadcast %ne3A_343 : vector<2048x16xi1> to vector<2048x16xi1>
    %ne3A_345 = arith.xori %lt3A_340, %ne3A_344 : vector<2048x16xi1>
    %and3A_346 = arith.andi %ne3A_345, %ne3A_337 : vector<2048x16xi1>
    %add3A_347 = vector.broadcast %select_n3A_332 : i32 to vector<2048x16xi32>
    %add3A_348 = arith.addi %rem3A_334, %add3A_347 : vector<2048x16xi32>
    %select_n3A_349 = arith.select %and3A_346, %add3A_348, %rem3A_334 : vector<2048x16xi1>, vector<2048x16xi32>
    %eq3A_350 = arith.cmpi eq, %select_n3A_326, %select_n3A_349 : vector<2048x16xi32>
    %convert_element_type3A_351 = arith.extui %eq3A_350 : vector<2048x16xi1> to vector<2048x16xi32>
    %convert_element_type3A_352 = arith.sitofp %convert_element_type3A_351 : vector<2048x16xi32> to vector<2048x16xf32>
    %dot_general3A_353 = arith.constant dense<0.000000e+00> : vector<1x16xf32>
    %dot_general3A_354 = tpu.matmul %scan3A_302#0, %convert_element_type3A_352, %dot_general3A_353 {dimension_numbers = #tpu.dot_dimension_numbers<[1], [0], [0], [1], [0, 0, 1, 1], [], []>, transpose_lhs_hint = false} : vector<1x2048xf32>, vector<2048x16xf32>, vector<1x16xf32> -> vector<1x16xf32>
    %dot_general3A_355 = arith.constant dense<0.000000e+00> : vector<1x16xf32>
    %dot_general3A_356 = tpu.matmul %scan3A_302#1, %convert_element_type3A_352, %dot_general3A_355 {dimension_numbers = #tpu.dot_dimension_numbers<[1], [0], [0], [1], [0, 0, 1, 1], [], []>, transpose_lhs_hint = false} : vector<1x2048xf32>, vector<2048x16xf32>, vector<1x16xf32> -> vector<1x16xf32>
    %div3A_357 = arith.constant 2.621440e+05 : f32
    %div3A_358 = vector.broadcast %div3A_357 : f32 to vector<1x16xf32>
    %div3A_359 = arith.divf %dot_general3A_354, %div3A_358 : vector<1x16xf32>
    %div3A_360 = arith.constant 2.621440e+05 : f32
    %div3A_361 = vector.broadcast %div3A_360 : f32 to vector<1x16xf32>
    %div3A_362 = arith.divf %dot_general3A_356, %div3A_361 : vector<1x16xf32>
    %mul3A_363 = arith.mulf %div3A_359, %div3A_359 : vector<1x16xf32>
    %sub3A_364 = arith.subf %div3A_362, %mul3A_363 : vector<1x16xf32>
    %get3A_365 = arith.constant 2 : index
    %get3A_366 = arith.constant 0 : index
    %get3A_367 = arith.constant 0 : index
    %get3A_368 = vector.load %arg5[%get3A_365, %get3A_366, %get3A_367] : memref<3x8x16xf32, #tpu.memory_space<vmem>>, vector<1x1x16xf32>
    %get3A_369 = vector.shape_cast %get3A_368 : vector<1x1x16xf32> to vector<1x16xf32>
    %get3A_370 = arith.constant 2 : index
    %get3A_371 = arith.constant 1 : index
    %get3A_372 = arith.constant 0 : index
    %get3A_373 = vector.load %arg5[%get3A_370, %get3A_371, %get3A_372] : memref<3x8x16xf32, #tpu.memory_space<vmem>>, vector<1x1x16xf32>
    %get3A_374 = vector.shape_cast %get3A_373 : vector<1x1x16xf32> to vector<1x16xf32>
    %add3A_375 = arith.constant 9.99999974E-6 : f32
    %add3A_376 = vector.broadcast %add3A_375 : f32 to vector<1x16xf32>
    %add3A_377 = arith.addf %sub3A_364, %add3A_376 : vector<1x16xf32>
    %rsqrt3A_378 = math.rsqrt %add3A_377 : vector<1x16xf32>
    %mul3A_379 = arith.mulf %rsqrt3A_378, %get3A_369 : vector<1x16xf32>
    %mul3A_380 = arith.mulf %div3A_359, %mul3A_379 : vector<1x16xf32>
    %sub3A_381 = arith.subf %get3A_374, %mul3A_380 : vector<1x16xf32>
    %iota3A_382 = tpu.iota {dimensions = array<i32: 0>} : vector<16x128xi32>
    %jit3A_383 = arith.constant 16 : i32
    %eq3A_384 = arith.constant 0 : i32
    %eq3A_385 = arith.cmpi eq, %jit3A_383, %eq3A_384 : i32
    %jit3A_386 = arith.constant 1 : i32
    %select_n3A_387 = arith.select %eq3A_385, %jit3A_386, %jit3A_383 : i32
    %rem3A_388 = vector.broadcast %select_n3A_387 : i32 to vector<16x128xi32>
    %rem3A_389 = arith.remsi %iota3A_382, %rem3A_388 : vector<16x128xi32>
    %ne3A_390 = arith.constant 0 : i32
    %ne3A_391 = vector.broadcast %ne3A_390 : i32 to vector<16x128xi32>
    %ne3A_392 = arith.cmpi ne, %rem3A_389, %ne3A_391 : vector<16x128xi32>
    %lt3A_393 = arith.constant 0 : i32
    %lt3A_394 = vector.broadcast %lt3A_393 : i32 to vector<16x128xi32>
    %lt3A_395 = arith.cmpi slt, %rem3A_389, %lt3A_394 : vector<16x128xi32>
    %lt3A_396 = arith.constant 0 : i32
    %lt3A_397 = arith.cmpi slt, %select_n3A_387, %lt3A_396 : i32
    %ne3A_398 = vector.broadcast %lt3A_397 : i1 to vector<16x128xi1>
    %ne3A_399 = vector.broadcast %ne3A_398 : vector<16x128xi1> to vector<16x128xi1>
    %ne3A_400 = arith.xori %lt3A_395, %ne3A_399 : vector<16x128xi1>
    %and3A_401 = arith.andi %ne3A_400, %ne3A_392 : vector<16x128xi1>
    %add3A_402 = vector.broadcast %select_n3A_387 : i32 to vector<16x128xi32>
    %add3A_403 = arith.addi %rem3A_389, %add3A_402 : vector<16x128xi32>
    %select_n3A_404 = arith.select %and3A_401, %add3A_403, %rem3A_389 : vector<16x128xi1>, vector<16x128xi32>
    %iota3A_405 = tpu.iota {dimensions = array<i32: 1>} : vector<16x128xi32>
    %jit3A_406 = arith.constant 16 : i32
    %eq3A_407 = arith.constant 0 : i32
    %eq3A_408 = arith.cmpi eq, %jit3A_406, %eq3A_407 : i32
    %jit3A_409 = arith.constant 1 : i32
    %select_n3A_410 = arith.select %eq3A_408, %jit3A_409, %jit3A_406 : i32
    %rem3A_411 = vector.broadcast %select_n3A_410 : i32 to vector<16x128xi32>
    %rem3A_412 = arith.remsi %iota3A_405, %rem3A_411 : vector<16x128xi32>
    %ne3A_413 = arith.constant 0 : i32
    %ne3A_414 = vector.broadcast %ne3A_413 : i32 to vector<16x128xi32>
    %ne3A_415 = arith.cmpi ne, %rem3A_412, %ne3A_414 : vector<16x128xi32>
    %lt3A_416 = arith.constant 0 : i32
    %lt3A_417 = vector.broadcast %lt3A_416 : i32 to vector<16x128xi32>
    %lt3A_418 = arith.cmpi slt, %rem3A_412, %lt3A_417 : vector<16x128xi32>
    %lt3A_419 = arith.constant 0 : i32
    %lt3A_420 = arith.cmpi slt, %select_n3A_410, %lt3A_419 : i32
    %ne3A_421 = vector.broadcast %lt3A_420 : i1 to vector<16x128xi1>
    %ne3A_422 = vector.broadcast %ne3A_421 : vector<16x128xi1> to vector<16x128xi1>
    %ne3A_423 = arith.xori %lt3A_418, %ne3A_422 : vector<16x128xi1>
    %and3A_424 = arith.andi %ne3A_423, %ne3A_415 : vector<16x128xi1>
    %add3A_425 = vector.broadcast %select_n3A_410 : i32 to vector<16x128xi32>
    %add3A_426 = arith.addi %rem3A_412, %add3A_425 : vector<16x128xi32>
    %select_n3A_427 = arith.select %and3A_424, %add3A_426, %rem3A_412 : vector<16x128xi1>, vector<16x128xi32>
    %eq3A_428 = arith.cmpi eq, %select_n3A_404, %select_n3A_427 : vector<16x128xi32>
    %convert_element_type3A_429 = arith.extui %eq3A_428 : vector<16x128xi1> to vector<16x128xi32>
    %convert_element_type3A_430 = arith.sitofp %convert_element_type3A_429 : vector<16x128xi32> to vector<16x128xf32>
    %dot_general3A_431 = arith.constant dense<0.000000e+00> : vector<1x128xf32>
    %dot_general3A_432 = tpu.matmul %mul3A_379, %convert_element_type3A_430, %dot_general3A_431 {dimension_numbers = #tpu.dot_dimension_numbers<[1], [0], [0], [1], [0, 0, 1, 1], [], []>, transpose_lhs_hint = false} : vector<1x16xf32>, vector<16x128xf32>, vector<1x128xf32> -> vector<1x128xf32>
    %dot_general3A_433 = arith.constant dense<0.000000e+00> : vector<1x128xf32>
    %dot_general3A_434 = tpu.matmul %sub3A_381, %convert_element_type3A_430, %dot_general3A_433 {dimension_numbers = #tpu.dot_dimension_numbers<[1], [0], [0], [1], [0, 0, 1, 1], [], []>, transpose_lhs_hint = false} : vector<1x16xf32>, vector<16x128xf32>, vector<1x128xf32> -> vector<1x128xf32>
    %iota3A_435 = tpu.iota {dimensions = array<i32: 0>} : vector<128x16xi32>
    %jit3A_436 = arith.constant 16 : i32
    %eq3A_437 = arith.constant 0 : i32
    %eq3A_438 = arith.cmpi eq, %jit3A_436, %eq3A_437 : i32
    %jit3A_439 = arith.constant 1 : i32
    %select_n3A_440 = arith.select %eq3A_438, %jit3A_439, %jit3A_436 : i32
    %rem3A_441 = vector.broadcast %select_n3A_440 : i32 to vector<128x16xi32>
    %rem3A_442 = arith.remsi %iota3A_435, %rem3A_441 : vector<128x16xi32>
    %ne3A_443 = arith.constant 0 : i32
    %ne3A_444 = vector.broadcast %ne3A_443 : i32 to vector<128x16xi32>
    %ne3A_445 = arith.cmpi ne, %rem3A_442, %ne3A_444 : vector<128x16xi32>
    %lt3A_446 = arith.constant 0 : i32
    %lt3A_447 = vector.broadcast %lt3A_446 : i32 to vector<128x16xi32>
    %lt3A_448 = arith.cmpi slt, %rem3A_442, %lt3A_447 : vector<128x16xi32>
    %lt3A_449 = arith.constant 0 : i32
    %lt3A_450 = arith.cmpi slt, %select_n3A_440, %lt3A_449 : i32
    %ne3A_451 = vector.broadcast %lt3A_450 : i1 to vector<128x16xi1>
    %ne3A_452 = vector.broadcast %ne3A_451 : vector<128x16xi1> to vector<128x16xi1>
    %ne3A_453 = arith.xori %lt3A_448, %ne3A_452 : vector<128x16xi1>
    %and3A_454 = arith.andi %ne3A_453, %ne3A_445 : vector<128x16xi1>
    %add3A_455 = vector.broadcast %select_n3A_440 : i32 to vector<128x16xi32>
    %add3A_456 = arith.addi %rem3A_442, %add3A_455 : vector<128x16xi32>
    %select_n3A_457 = arith.select %and3A_454, %add3A_456, %rem3A_442 : vector<128x16xi1>, vector<128x16xi32>
    %iota3A_458 = tpu.iota {dimensions = array<i32: 1>} : vector<128x16xi32>
    %jit3A_459 = arith.constant 16 : i32
    %eq3A_460 = arith.constant 0 : i32
    %eq3A_461 = arith.cmpi eq, %jit3A_459, %eq3A_460 : i32
    %jit3A_462 = arith.constant 1 : i32
    %select_n3A_463 = arith.select %eq3A_461, %jit3A_462, %jit3A_459 : i32
    %rem3A_464 = vector.broadcast %select_n3A_463 : i32 to vector<128x16xi32>
    %rem3A_465 = arith.remsi %iota3A_458, %rem3A_464 : vector<128x16xi32>
    %ne3A_466 = arith.constant 0 : i32
    %ne3A_467 = vector.broadcast %ne3A_466 : i32 to vector<128x16xi32>
    %ne3A_468 = arith.cmpi ne, %rem3A_465, %ne3A_467 : vector<128x16xi32>
    %lt3A_469 = arith.constant 0 : i32
    %lt3A_470 = vector.broadcast %lt3A_469 : i32 to vector<128x16xi32>
    %lt3A_471 = arith.cmpi slt, %rem3A_465, %lt3A_470 : vector<128x16xi32>
    %lt3A_472 = arith.constant 0 : i32
    %lt3A_473 = arith.cmpi slt, %select_n3A_463, %lt3A_472 : i32
    %ne3A_474 = vector.broadcast %lt3A_473 : i1 to vector<128x16xi1>
    %ne3A_475 = vector.broadcast %ne3A_474 : vector<128x16xi1> to vector<128x16xi1>
    %ne3A_476 = arith.xori %lt3A_471, %ne3A_475 : vector<128x16xi1>
    %and3A_477 = arith.andi %ne3A_476, %ne3A_468 : vector<128x16xi1>
    %add3A_478 = vector.broadcast %select_n3A_463 : i32 to vector<128x16xi32>
    %add3A_479 = arith.addi %rem3A_465, %add3A_478 : vector<128x16xi32>
    %select_n3A_480 = arith.select %and3A_477, %add3A_479, %rem3A_465 : vector<128x16xi1>, vector<128x16xi32>
    %eq3A_481 = arith.cmpi eq, %select_n3A_457, %select_n3A_480 : vector<128x16xi32>
    %convert_element_type3A_482 = arith.extui %eq3A_481 : vector<128x16xi1> to vector<128x16xi32>
    %convert_element_type3A_483 = arith.sitofp %convert_element_type3A_482 : vector<128x16xi32> to vector<128x16xf32>
    %scan3A_484 = arith.constant 0 : i32
    %scan3A_485 = arith.constant 64 : i32
    %scan3A_486 = arith.addi %scan3A_484, %scan3A_485 : i32
    %scan3A_487 = arith.constant 1 : i32
    scf.for %scan3A_510 = %scan3A_484 to %scan3A_486 step %scan3A_487  : i32 {
      %mul3A_511 = arith.constant 128 : i32
      %mul3A_512 = arith.muli %scan3A_510, %mul3A_511 : i32
      %get3A_513 = arith.constant 0 : index
      %get3A_514 = arith.index_cast %mul3A_512 : i32 to index
      %get3A_515 = vector.load %arg10[%get3A_513, %get3A_514] : memref<512x8192xf32, #tpu.memory_space<vmem>>, vector<512x128xf32>
      %mul3A_516 = vector.broadcast %dot_general3A_432 : vector<1x128xf32> to vector<512x128xf32>
      %mul3A_517 = arith.mulf %get3A_515, %mul3A_516 : vector<512x128xf32>
      %add3A_518 = vector.broadcast %dot_general3A_434 : vector<1x128xf32> to vector<512x128xf32>
      %add3A_519 = arith.addf %mul3A_517, %add3A_518 : vector<512x128xf32>
      %max3A = arith.constant 0.000000e+00 : f32
      %max3A_520 = vector.broadcast %max3A : f32 to vector<512x128xf32>
      %max3A_521 = arith.maximumf %add3A_519, %max3A_520 : vector<512x128xf32>
      %dot_general3A_522 = arith.constant dense<0.000000e+00> : vector<512x16xf32>
      %dot_general3A_523 = tpu.matmul %max3A_521, %convert_element_type3A_483, %dot_general3A_522 {dimension_numbers = #tpu.dot_dimension_numbers<[1], [0], [0], [1], [0, 0, 1, 1], [], []>, transpose_lhs_hint = false} : vector<512x128xf32>, vector<128x16xf32>, vector<512x16xf32> -> vector<512x16xf32>
      %eq3A_524 = arith.constant 0 : i32
      %eq3A_525 = arith.cmpi eq, %scan3A_510, %eq3A_524 : i32
      %get3A_526 = arith.constant 0 : index
      %get3A_527 = arith.constant 0 : index
      %get3A_528 = vector.load %arg11[%get3A_526, %get3A_527] : memref<512x16xf32, #tpu.memory_space<vmem>>, vector<512x16xf32>
      %add3A_529 = arith.addf %get3A_528, %dot_general3A_523 : vector<512x16xf32>
      %select_n3A_530 = arith.select %eq3A_525, %dot_general3A_523, %add3A_529 : vector<512x16xf32>
      %swap3A_531 = arith.constant 0 : index
      %swap3A_532 = arith.constant 0 : index
      %swap3A_533 = vector.load %arg11[%swap3A_531, %swap3A_532] : memref<512x16xf32, #tpu.memory_space<vmem>>, vector<512x16xf32>
      tpu.vector_store %arg11[%swap3A_531, %swap3A_532], %select_n3A_530 {strides = array<i32>} : memref<512x16xf32, #tpu.memory_space<vmem>>, vector<512x16xf32>,
    }
    %scan3A_488 = arith.constant 64 : i32
    %get3A_489 = arith.constant 2 : index
    %get3A_490 = arith.constant 2 : index
    %get3A_491 = arith.constant 0 : index
    %get3A_492 = vector.load %arg5[%get3A_489, %get3A_490, %get3A_491] : memref<3x8x16xf32, #tpu.memory_space<vmem>>, vector<1x1x16xf32>
    %get3A_493 = vector.shape_cast %get3A_492 : vector<1x1x16xf32> to vector<1x16xf32>
    %get3A_494 = arith.constant 0 : index
    %get3A_495 = arith.constant 0 : index
    %get3A_496 = vector.load %arg11[%get3A_494, %get3A_495] : memref<512x16xf32, #tpu.memory_space<vmem>>, vector<512x16xf32>
    %get3A_497 = arith.constant 0 : index
    %get3A_498 = arith.constant 0 : index
    %get3A_499 = vector.load %arg4[%get3A_497, %get3A_498] : memref<16x16xf32, #tpu.memory_space<vmem>>, vector<16x16xf32>
    %dot_general3A_500 = arith.constant dense<0.000000e+00> : vector<512x16xf32>
    %dot_general3A_501 = tpu.matmul %get3A_496, %get3A_499, %dot_general3A_500 {dimension_numbers = #tpu.dot_dimension_numbers<[1], [0], [0], [1], [0, 0, 1, 1], [], []>, transpose_lhs_hint = false} : vector<512x16xf32>, vector<16x16xf32>, vector<512x16xf32> -> vector<512x16xf32>
    %mul3A_502 = arith.constant 5.120000e+02 : f32
    %mul3A_503 = vector.broadcast %mul3A_502 : f32 to vector<1x16xf32>
    %mul3A_504 = arith.mulf %mul3A_503, %get3A_493 : vector<1x16xf32>
    %add3A_505 = vector.broadcast %mul3A_504 : vector<1x16xf32> to vector<512x16xf32>
    %add3A_506 = arith.addf %dot_general3A_501, %add3A_505 : vector<512x16xf32>
    %swap3A_507 = arith.constant 0 : index
    %swap3A_508 = arith.constant 0 : index
    %swap3A_509 = vector.load %arg7[%swap3A_507, %swap3A_508] : memref<512x16xf32, #tpu.memory_space<vmem>>, vector<512x16xf32>
    tpu.vector_store %arg7[%swap3A_507, %swap3A_508], %add3A_506 {strides = array<i32>} : memref<512x16xf32, #tpu.memory_space<vmem>>, vector<512x16xf32>,
    return
  }
}

</mosaic_0001>

<sc_bundles>
// kernel: kernel.5.cloned.1.call-start
scs
__scs_entry_jumppad:
0x0: {  	(pc) =	sbr.rel $0x88, $3  }
0x1: {  	(tag) =	ssettag $0x0;
	lr =	simm.s32 $0x1  }
0x2: {  	[smem:$0x3F8D] =	sst lr;
	_ =	strace $0xD0000000  }
0x3: {  	_ = 	snop  }
0x4: {  	_ = 	snop  }
0x5: {  	_ = 	snop  }
0x6: {  	_ = 	snop  }
0x7: {  	_ = 	snop  }
__scs_overlays_trampoline_lowered:
0x8: {  	[smem:$0x3F9C] =	sst s0  }
0x9: {  	[smem:$0x3F9D] =	sst s1  }
0xa: {  	[smem:$0x3F9E] =	sst s2  }
0xb: {  	[smem:$0x3F9F] =	sst s3  }
0xc: {  	[smem:$0x3FA0] =	sst s4  }
0xd: {  	[smem:$0x3FA1] =	sst s5  }
0xe: {  	[smem:$0x3FA2] =	sst s6  }
0xf: {  	[smem:$0x3FA3] =	sst s7  }
0x10: {  	[smem:$0x3FA4] =	sst s8  }
0x11: {  	[smem:$0x3FA5] =	sst s9;
	s0 =	simm.s32 @!p0 $0x0  }
0x12: {  	s1 =	sld [smem:$0x3F8B];
	s0 =	simm.s32 @p0 $0x1  }
0x13: {  	[smem:$0x3FA6] =	sst s0;
	s0 =	simm.s32 @!p1 $0x0  }
0x14: {  	s2 =	sld [smem:$0x3F8A];
	s0 =	simm.s32 @p1 $0x1  }
0x15: {  	[smem:$0x3FA7] =	sst s0;
	s0 =	simm.s32 @!p2 $0x0  }
0x16: {  	s3 =	sld [smem:$0x3FDB];
	s0 =	simm.s32 @p2 $0x1  }
0x17: {  	s4 =	simm.s32 $0x1BF5;
	[smem:$0x3FA9] =	sst s0  }
0x18: {  	s0 =	sld [smem:$0x3F8C];
	_ =	swait.ge [sflag:s4], $0x0  }
0x19: {  	s7 =	sld [smem:$0x3F8D]  }
0x1a: {  	s8 =	sadd.s32 $0xFFFFE003, lr  }
0x1b: {  	s9 =	sadd.s32 $0xFFFFFEF7, lr;
	s5 =	simm.s32 $0xFFFFFFFF;
	p2 =	slt.u32 s8, $0xFFFFF086  }
0x1c: {  	p1 =	slt.u32 s9, $0xF7A;
	s5 =	simm.s32 @!p2 $0x0  }
0x1d: {  	s5 =	simm.s32 @p1 $0x1;
	p0 =	seq.s32 s7, s2  }
0x1e: {  	s7 =	smul.u32 @!p0 $0xF7A, s2;
	p2 =	seq.s32 @!p0 s5, $0x0  }
0x1f: {  	s9 =	smul.u32 $0xF7A, s1;
	s8 =	simm.s32 @!p0 $0x1BF5;
	p2 =	por !p2, p0  }
0x20: {  	[sflag:s8] =	ssyncset.s32 @!p0 $0xFFFFF086;
	s6 =	sadd.s32 @!p0 s3, s7;
	s7 =	simm.s32 @!p0 $0x108  }
0x21: {  	s3 =	sadd.s32 s3, s9;
	s6 =	sadd.s32 @!p0 $0x88, s6;
	s7 =	simm.s32 @p2 $0x1082  }
0x22: {  	[simem:s7], [sflag:s8] =	dma.local @!p0 [hbm:s6], $0xF7A  }
0x23: {  	s9 =	sor.u32 $0xD0000000, s2;
	s6 =	simm.s32 $0x108;
	_ =	swait.ge @!p0 [sflag:s8], $0x0  }
0x24: {  	s3 =	sadd.s32 $0x88, s3;
	s6 =	simm.s32 @!p1 $0x1082;
	[sflag:s4] =	ssyncset.s32 $0xFFFFF086  }
0x25: {  	[simem:s6], [sflag:s4] =	dma.local [hbm:s3], $0xF7A  }
0x26: {  	[smem:$0x3F8D] =	sst s1;
	(tag) =	ssettag s2;
	_ =	strace s9  }
0x27: {  	s1 =	sld [smem:$0x3F9D]  }
0x28: {  	s2 =	sld [smem:$0x3F9E]  }
0x29: {  	s4 =	sld [smem:$0x3FA0]  }
0x2a: {  	p0 =	seq.s32 s5, $0x0;
	s5 =	sld [smem:$0x3FA1]  }
0x2b: {  	s6 =	sld [smem:$0x3FA2]  }
0x2c: {  	s7 =	sld [smem:$0x3FA3]  }
0x2d: {  	s3 =	simm.s32 $0x108;
	s8 =	sld [smem:$0x3FA4]  }
0x2e: {  	s3 =	simm.s32 @!p0 $0x1082;
	s9 =	sld [smem:$0x3FA5]  }
0x2f: {  	lr =	sadd.s32 s0, s3;
	s0 =	sld [smem:$0x3F9C]  }
0x30: {  	s3 =	sld [smem:$0x3F9F]  }
0x31: {  	[smem:$0x3FA8] =	sst s10  }
0x32: {  	s10 =	sld [smem:$0x3FA6];
	_ =	sdelay $0x3  }
0x33: {  	p0 =	seq.s32 s10, $0x1;
	s10 =	sld [smem:$0x3FA8];
	_ =	sdelay $0x3  }
0x34: {  	[smem:$0x3FA8] =	sst s10  }
0x35: {  	s10 =	sld [smem:$0x3FA7];
	_ =	sdelay $0x3  }
0x36: {  	p1 =	seq.s32 s10, $0x1;
	s10 =	sld [smem:$0x3FA8];
	_ =	sdelay $0x3  }
0x37: {  	[smem:$0x3FA8] =	sst s10  }
0x38: {  	s10 =	sld [smem:$0x3FA9]  }
0x39: {  	_ = 	snop;
	(pc) =	sbr.ind lr, $3  }
0x3a: {  	_ = 	snop  }
0x3b: {  	_ = 	snop  }
0x3c: {  	p2 =	seq.s32 s10, $0x1;
	s10 =	sld [smem:$0x3FA8]  }
0x3d: {  	_ =	shalt  }
0x3e: {  	_ =	shalt  }
0x3f: {  	_ =	shalt  }
0x40: {  	_ =	shalt  }
0x41: {  	_ =	shalt  }
0x42: {  	_ =	shalt  }
0x43: {  	_ =	shalt  }
0x44: {  	_ =	shalt  }
0x45: {  	_ =	shalt  }
0x46: {  	_ =	shalt  }
0x47: {  	_ =	shalt  }
0x48: {  	_ =	shalt  }
0x49: {  	_ =	shalt  }
0x4a: {  	_ =	shalt  }
0x4b: {  	_ =	shalt  }
0x4c: {  	_ =	shalt  }
0x4d: {  	_ =	shalt  }
0x4e: {  	_ =	shalt  }
0x4f: {  	_ =	shalt  }
0x50: {  	_ =	shalt  }
0x51: {  	_ =	shalt  }
0x52: {  	_ =	shalt  }
0x53: {  	_ =	shalt  }
0x54: {  	_ =	shalt  }
0x55: {  	_ =	shalt  }
0x56: {  	_ =	shalt  }
0x57: {  	_ =	shalt  }
0x58: {  	_ =	shalt  }
0x59: {  	_ =	shalt  }
0x5a: {  	_ =	shalt  }
0x5b: {  	_ =	shalt  }
0x5c: {  	_ =	shalt  }
0x5d: {  	_ =	shalt  }
0x5e: {  	_ =	shalt  }
0x5f: {  	_ =	shalt  }
0x60: {  	_ =	shalt  }
0x61: {  	_ =	shalt  }
0x62: {  	_ =	shalt  }
0x63: {  	_ =	shalt  }
0x64: {  	_ =	shalt  }
0x65: {  	_ =	shalt  }
0x66: {  	_ =	shalt  }
0x67: {  	_ =	shalt  }
0x68: {  	_ =	shalt  }
0x69: {  	_ =	shalt  }
0x6a: {  	_ =	shalt  }
0x6b: {  	_ =	shalt  }
0x6c: {  	_ =	shalt  }
0x6d: {  	_ =	shalt  }
0x6e: {  	_ =	shalt  }
0x6f: {  	_ =	shalt  }
0x70: {  	_ =	shalt  }
0x71: {  	_ =	shalt  }
0x72: {  	_ =	shalt  }
0x73: {  	_ =	shalt  }
0x74: {  	_ =	shalt  }
0x75: {  	_ =	shalt  }
0x76: {  	_ =	shalt  }
0x77: {  	_ =	shalt  }
0x78: {  	_ =	shalt  }
0x79: {  	_ =	shalt  }
0x7a: {  	_ =	shalt  }
0x7b: {  	_ =	shalt  }
0x7c: {  	_ =	shalt  }
0x7d: {  	_ =	shalt  }
0x7e: {  	_ =	shalt  }
0x7f: {  	_ =	shalt  }
0x80: {  	_ =	shalt  }
0x81: {  	_ =	shalt  }
0x82: {  	_ =	shalt  }
0x83: {  	_ =	shalt  }
0x84: {  	_ =	shalt  }
0x85: {  	_ =	shalt  }
0x86: {  	_ =	shalt  }
0x87: {  	_ =	shalt  }
.Lfunc_end0:
.L_simem_size_0:
called_computation_lowered:
.L_overlay_start_0:
0x88: {  	s2 =	sld [smem:$0x3FD9]  }
0x89: {  	s3 =	sld [smem:$0x3FFE];
	_ =	sdelay $0x1  }
0x8a: {  	s1 =	srdreg.scid  }
0x8b: {  	s0 =	sand.u32 $0x1, s1  }
0x8c: {  	s17 =	sshll.u32 s0, $0xA;
	s2 =	sadd.s32 s3, s2  }
0x8d: {  	s2 =	sadd.s32 s2, s17  }
0x8e: {  	[smem:$0x3FB4] =	sst s2  }
0x8f: {  	_ = 	snop  }
0x90: {  	s2 =	sld [smem:$0x3FD0];
	(tm) =	ssettm $0x1  }
0x91: {  	s18 =	sld [smem:$0x3FFB];
	_ =	sdelay $0x3  }
0x92: {  	_ =	strace s18  }
0x93: {  	s3 =	sld [smem:$0x3FFC];
	_ =	sdelay $0x3  }
0x94: {  	_ =	strace s3  }
0x95: {  	s3 =	sld [smem:$0x3FFD];
	_ =	sdelay $0x3  }
0x96: {  	_ =	strace s3  }
0x97: {  	_ =	strace $0x8FFFFFFF  }
0x98: {  	s19 =	sld [smem:$0x3FDB];
	_ =	sdelay $0x1  }
0x99: {  	s4 =	simm.s32 $_scs_section_size  }
0x9a: {  	s5 =	simm.s32 $_size__tile_overlayer_lowered;
	s6 =	simm.s32 $_tile_overlayer_lowered  }
0x9b: {  	s22 =	simm.s32 $0x1BFF;
	s21 =	sshll.u32 s6, $0x1;
	s3 =	sadd.s32 s4, s19  }
0x9c: {  	s7 =	simm.s32 $0x0;
	s20 =	sshll.u32 s5, $0x1;
	s5 =	sadd.s32 s21, s3  }
0x9d: {  	[timem:s7], [sflag:s22] =	dma.local [hbm:s5], s20  }
0x9e: {  	_ =	swait.ge [sflag:s22], s20  }
0x9f: {  	s4 =	ssub.s32 $0x0, s20;
	[sflag:s22] =	ssyncset.done $0x0  }
0xa0: {  	[sflag:s22] =	ssyncadd.s32 s4;
	_ =	sdelay $0x1  }
0xa1: {  	s23 =	simm.s32 $0x1B8B  }
0xa2: {  	_ =	swait.ge [sflag:s23], $0x1  }
0xa3: {  	[sflag:s23] =	ssyncset.done $0x0  }
0xa4: {  	s25 =	simm.s32 $0x1B8E;
	s24 =	sld [smem:$0x3FFE];
	[sflag:s23] =	ssyncadd.s32 $0xFFFFFFFF  }
0xa5: {  	s26 =	simm.s32 $execute0_lowered;
	[smem:$0x3FD2] =	sst s25  }
0xa6: {  	s5 =	sshll.u32 s26, $0x1;
	_ =	strace $0x80000046;
	[dreg:$0x1] =	wrdreg $0xFFFFFFFF  }
0xa7: {  	s28 =	simm.s32 $_size_execute0_lowered;
	s3 =	sadd.s32 s3, s5;
	[dreg:$0x0] =	wrdreg $0x0  }
0xa8: {  	s5 =	sshll.u32 s28, $0x1;
	[dreg:$0x2] =	wrdreg s3  }
0xa9: {  	[dreg:$0x3] =	wrdreg s5  }
0xaa: {  	[dreg:$0x4] =	wrdreg $0xC0  }
0xab: {  	_ =	task [dreg:s7], $0x5FFFF  }
0xac: {  	[dreg:$0x1] =	wrdreg $0xFFFFFFFF  }
0xad: {  	[dreg:$0x0] =	wrdreg $0x60  }
0xae: {  	[dreg:$0x2] =	wrdreg s2  }
0xaf: {  	[dreg:$0x3] =	wrdreg s24  }
0xb0: {  	[dreg:$0x4] =	wrdreg $0x9  }
0xb1: {  	_ =	task.clear_ibuf [dreg:s7], $0x5FFFF;
	_ =	strace $0x90000046  }
0xb2: {  	s29 =	simm.s32 $0x9;
	_ =	strace $0x80000048  }
0xb3: {  	_ =	swait.ge [sflag:s29], $0x1  }
0xb4: {  	[sflag:s29] =	ssyncadd.s32 $0xFFFFFFFF  }
0xb5: {  	_ =	strace $0x90000048  }
0xb6: {  	_ =	sfence  }
0xb7: {  	s30 =	sld [smem:$0x0];
	_ =	sdelay $0x2  }
0xb8: {  	s31 =	sshll.u32 s1, $0xD;
	s1 =	sshrl.u32 s1, $0x2  }
0xb9: {  	s3 =	sand.u32 $0x4000, s31;
	s1 =	sadd.s32 s1, s30  }
0xba: {  	s0 =	sor.u32 s3, s0;
	s1 =	sshll.u32 s1, $0x11  }
0xbb: {  	s0 =	sor.u32 s1, s0  }
0xbc: {  	s0 =	sadd.s32 $0x8F2B, s0  }
0xbd: {  	[sflag:s0] =	ssyncadd.remote.s32 $0x1  }
0xbe: {  	_ =	sfence.sel $0xFFFF  }
0xbf: {  	[dreg:$0x0] =	wrdreg $0xFFFFFFFF;
	(pc) =	sbr.abs _section_cstart, $3  }
0xc0: {  	[dreg:$0x1] =	wrdreg $0xFFFFFFFF  }
0xc1: {  	_ =	task.clear_ibuf [dreg:s7], $0x2FFFF;
	_ =	strace $0x9FFFFFFF  }
0xc2: {  	(tm) =	ssettm $0x7FFFFFFF  }
0xc3: {  	_ =	shalt  }
tec
execute0_lowered:
.L_overlay_start_1:
0x0: {  	(tag) =	ssettag $0x1  }
0x1: {  	v1 =	vimm.f32 $0.0e+00;
	vm4 =	vmmov $0x1  }
0x2: {  	v2 =	vlaneseq.u32;
	vm1 =	vcmask $0x300;
	vm3 =	vcmask $0x704  }
0x3: {  	vm5 =	vcmask $0xB08;
	vm6 =	vcmask $0xF0C;
	vm7 =	vcmask $0x1310  }
0x4: {  	vm8 =	vcmask $0x1714;
	vm9 =	vcmask $0x1B18;
	vm10 =	vcmask $0x1F1C  }
0x5: {  	vm11 =	vcmask $0x2320;
	vm12 =	vcmask $0x2724;
	vm13 =	vcmask $0x2B28  }
0x6: {  	s1 =	srdreg.scid;
	s5 =	rddreg [dreg:$0x1];
	vm14 =	vcmask $0x2F2C;
	vm15 =	vcmask $0x3330;
	vm0 =	vcmask $0x3734  }
0x7: {  	s0 =	stileid.u32;
	s2 =	rddreg [dreg:$0x2];
	vm2 =	vcmask $0x3B38;
	v18 =	vimm.f32 $1.000000000e+00;
	v2 =	vor.u32 $0x2000, v2  }
0x8: {  	s8 =	simm.s32 $0x0;
	s3 =	sand.u32 $0x1, s1;
	s30 =	sshll.u32 s0, $0x1;
	v3 =	vsel vm1, $0x3F800000, v1;
	v4 =	vsel vm3, $0x3F800000, v1;
	v5 =	vsel vm5, $0x3F800000, v1  }
0x9: {  	v6 =	vsel vm6, $0x3F800000, v1;
	v7 =	vsel vm7, $0x3F800000, v1;
	v8 =	vsel vm8, $0x3F800000, v1;
	s4 =	sor.u32 s3, s30;
	s6 =	ssub.s32 $0x2, s3;
	s3 =	simm.s32 $0x0  }
0xa: {  	v9 =	vsel vm9, $0x3F800000, v1;
	v10 =	vsel vm10, $0x3F800000, v1;
	v11 =	vsel vm11, $0x3F800000, v1;
	s1 =	sshll.u32 s4, $0x4;
	s4 =	sshll.u32 s4, $0xA;
	[smem:$0x7FF] =	sst s3  }
0xb: {  	v12 =	vsel vm12, $0x3F800000, v1;
	v13 =	vsel vm13, $0x3F800000, v1;
	s7 =	sshrl.u32 s6, $0x1;
	v0 =	vmov s1;
	s1 =	rddreg [dreg:$0x0];
	s4 =	sadd.s32 s4, s5  }
0xc: {  	v14 =	vsel vm14, $0x3F800000, v1;
	v15 =	vsel vm15, $0x3F800000, v1;
	vm1 =	vcmask $0x3B00;
	s31 =	ssub.s32 s6, s7;
	_ =	strace $0x80000047;
	s6 =	simm.s32 $0x1  }
0xd: {  	v16 =	vsel vm0, $0x3F800000, v1;
	v17 =	vsel vm2, $0x3F800000, v1;
	v18 =	vsel vm1, $0x0, v18;
	s7 =	simm.s32 $0x2000;
	s4 =	sadd.s32 $0x2000, s4;
	s5 =	smax.u32 s31, $0x1  }
.LBB2_1:
0xe: {  	[tilespmem:s3], [sflag:$0x1] =	stream.linear.gather [hbm4b:s1+s3], $0x2000, $0x38;
	[tilespmem:$0x4080] =	vst v63  }
0xf: {  	_ =	swait.ge [sflag:s6], $0x2000  }
0x10: {  	[sflag:s6] =	ssyncset.done $0x0  }
0x11: {  	s9 =	simm.s32 $0x0;
	[sflag:s6] =	ssyncadd.s32 $0xFFFFE000  }
.LBB2_2:
0x12: {  	p0 =	sne.s32 s9, $0x8000  }
.Ltmp0:
0x13: {  	_ = 	snop;
	(pc) =	sbr.rel @p0 .LBB2_2-.Ltmp0, $3  }
0x14: {  	_ =	sdelay $0x1  }
0x15: {  	s10 =	sshra.s32 s9, $0x2  }
0x16: {  	s9 =	sadd.s32 $0x40, s9;
	[tilespmem:s10+$0x2000] =	vst v1  }
0x17: {  	s9 =	simm.s32 $0x0  }
0x18: {  	s10 =	sand.u32 $0xFF0, s9  }
0x19: {  	v19 =	vld [tilespmem:s10+$0x1000];
	_ =	sdelay $0x1  }
0x1a: {  	v20 =	vld [tilespmem:s9+$0x0];
	_ =	sdelay $0x2  }
0x1b: {  	v19 =	vsub.s32 v19, v0  }
0x1c: {  	vm2 =	vlt.u32 v19, $0x10;
	v19 =	vshll.u32 v19, $0x9  }
0x1d: {  	v19 =	vadd.s32 v20, v19;
	vm1 =	vmand vm2, vm4  }
0x1e: {  	v20 =	vsel vm1, v19, v2;
	vm1 =	vmand vm2, vm3  }
0x1f: {  	v21 =	vsel vm1, v19, v2;
	vm1 =	vmand vm2, vm5  }
0x20: {  	v22 =	vsel vm1, v19, v2;
	vm1 =	vmand vm2, vm6  }
0x21: {  	v23 =	vsel vm1, v19, v2;
	vm1 =	vmand vm2, vm7  }
0x22: {  	v24 =	vsel vm1, v19, v2;
	vm1 =	vmand vm2, vm8  }
0x23: {  	v25 =	vnsel vm2, $0x0, v3;
	v26 =	vsel vm1, v19, v2;
	vm1 =	vmand vm2, vm9  }
0x24: {  	[tilespmem:v20+s7+$0x0] =	vst.idx.add.f32.msk $0xffff, v25;
	v20 =	vnsel vm2, $0x0, v4;
	v60 =	vsel vm1, v19, v2;
	vm1 =	vmand vm2, vm10  }
0x25: {  	[tilespmem:v21+s7+$0x0] =	vst.idx.add.f32.msk $0xffff, v20;
	v20 =	vnsel vm2, $0x0, v5;
	v21 =	vsel vm1, v19, v2;
	vm1 =	vmand vm2, vm11  }
0x26: {  	[tilespmem:v22+s7+$0x0] =	vst.idx.add.f32.msk $0xffff, v20;
	v20 =	vnsel vm2, $0x0, v6;
	v22 =	vsel vm1, v19, v2;
	vm1 =	vmand vm2, vm12  }
0x27: {  	[tilespmem:v23+s7+$0x0] =	vst.idx.add.f32.msk $0xffff, v20;
	v20 =	vnsel vm2, $0x0, v7;
	v23 =	vsel vm1, v19, v2;
	vm1 =	vmand vm2, vm13  }
0x28: {  	[tilespmem:v24+s7+$0x0] =	vst.idx.add.f32.msk $0xffff, v20;
	v20 =	vnsel vm2, $0x0, v8;
	v61 =	vsel vm1, v19, v2;
	vm1 =	vmand vm2, vm14  }
0x29: {  	[tilespmem:v26+s7+$0x0] =	vst.idx.add.f32.msk $0xffff, v20;
	v20 =	vnsel vm2, $0x0, v9;
	v62 =	vsel vm1, v19, v2;
	vm1 =	vmand vm2, vm15  }
0x2a: {  	[tilespmem:v60+s7+$0x0] =	vst.idx.add.f32.msk $0xffff, v20;
	v20 =	vnsel vm2, $0x0, v10;
	v63 =	vsel vm1, v19, v2;
	vm1 =	vmand vm2, vm0  }
0x2b: {  	[tilespmem:v21+s7+$0x0] =	vst.idx.add.f32.msk $0xffff, v20;
	v20 =	vnsel vm2, $0x0, v11;
	v21 =	vsel vm1, v19, v2;
	vm1 =	vcmask $0x3B38  }
0x2c: {  	[tilespmem:v22+s7+$0x0] =	vst.idx.add.f32.msk $0xffff, v20;
	v20 =	vnsel vm2, $0x0, v12;
	vm1 =	vmand vm2, vm1  }
0x2d: {  	[tilespmem:v23+s7+$0x0] =	vst.idx.add.f32.msk $0xffff, v20;
	v20 =	vnsel vm2, $0x0, v13;
	v22 =	vsel vm1, v19, v2;
	vm1 =	vcmask $0x3F3C  }
0x2e: {  	[tilespmem:v61+s7+$0x0] =	vst.idx.add.f32.msk $0xffff, v20;
	v20 =	vnsel vm2, $0x0, v14;
	vm1 =	vmand vm2, vm1  }
0x2f: {  	[tilespmem:v62+s7+$0x0] =	vst.idx.add.f32.msk $0xffff, v20;
	v20 =	vnsel vm2, $0x0, v15;
	v19 =	vsel vm1, v19, v2  }
0x30: {  	[tilespmem:v63+s7+$0x0] =	vst.idx.add.f32.msk $0xffff, v20;
	v20 =	vnsel vm2, $0x0, v16  }
0x31: {  	[tilespmem:v21+s7+$0x0] =	vst.idx.add.f32.msk $0xffff, v20;
	v21 =	vnsel vm2, $0x0, v17  }
0x32: {  	s12 =	simm.s32 $0x20;
	s10 =	simm.s32 $0x10;
	v20 =	vnsel vm2, $0x0, v18;
	[tilespmem:v22+s7+$0x0] =	vst.idx.add.f32.msk $0xffff, v21  }
.LBB2_4:
0x33: {  	s13 =	sand.u32 $0xFF0, s10  }
0x34: {  	[tilespmem:v19+s7+$0x0] =	vst.idx.add.f32.msk $0xffff, v20;
	s9 =	sadd.s32 $0x10, s9;
	s10 =	smov.u32 s12;
	s11 =	sadd.s32 $0x10, s12  }
0x35: {  	p0 =	sne.s32 s12, $0xFF0;
	v19 =	vld [tilespmem:s13+$0x1000];
	_ =	sdelay $0x1  }
0x36: {  	v20 =	vld [tilespmem:s9+$0x0];
	_ =	sdelay $0x2  }
0x37: {  	v19 =	vsub.s32 v19, v0  }
0x38: {  	vm1 =	vlt.u32 v19, $0x10;
	v19 =	vshll.u32 v19, $0x9  }
0x39: {  	vm0 =	vmmov vm4;
	v19 =	vadd.s32 v20, v19  }
0x3a: {  	vm2 =	vmand vm1, vm4;
	vm4 =	vmmov vm3;
	vm3 =	vmand vm1, vm3  }
0x3b: {  	v20 =	vsel vm2, v19, v2;
	v21 =	vsel vm3, v19, v2;
	vm2 =	vmand vm1, vm5  }
0x3c: {  	vm3 =	vmand vm1, vm7;
	v22 =	vsel vm2, v19, v2;
	vm2 =	vmand vm1, vm6  }
0x3d: {  	v24 =	vsel vm3, v19, v2;
	v23 =	vsel vm2, v19, v2;
	vm2 =	vmand vm1, vm8  }
0x3e: {  	vm3 =	vmand vm1, vm10;
	v25 =	vsel vm2, v19, v2;
	vm2 =	vmand vm1, vm9  }
0x3f: {  	v26 =	vnsel vm1, $0x0, v3;
	v28 =	vsel vm3, v19, v2;
	v27 =	vsel vm2, v19, v2  }
0x40: {  	vm3 =	vmand vm1, vm12;
	vm2 =	vmand vm1, vm11;
	[tilespmem:v20+s7+$0x0] =	vst.idx.add.f32.msk $0xffff, v26;
	v20 =	vnsel vm1, $0x0, v4  }
0x41: {  	v26 =	vsel vm3, v19, v2;
	[tilespmem:v21+s7+$0x0] =	vst.idx.add.f32.msk $0xffff, v20;
	v20 =	vnsel vm1, $0x0, v5;
	v21 =	vsel vm2, v19, v2  }
0x42: {  	vm3 =	vmand vm1, vm14;
	vm2 =	vmand vm1, vm13;
	[tilespmem:v22+s7+$0x0] =	vst.idx.add.f32.msk $0xffff, v20;
	v20 =	vnsel vm1, $0x0, v6  }
0x43: {  	v22 =	vsel vm2, v19, v2;
	[tilespmem:v23+s7+$0x0] =	vst.idx.add.f32.msk $0xffff, v20;
	v20 =	vnsel vm1, $0x0, v7;
	v23 =	vsel vm3, v19, v2  }
0x44: {  	vm2 =	vmand vm1, vm15;
	vm3 =	vcmask $0x3734;
	[tilespmem:v24+s7+$0x0] =	vst.idx.add.f32.msk $0xffff, v20;
	v20 =	vnsel vm1, $0x0, v8  }
0x45: {  	vm3 =	vmand vm1, vm3;
	v24 =	vsel vm2, v19, v2;
	vm2 =	vcmask $0x3B38  }
0x46: {  	[tilespmem:v25+s7+$0x0] =	vst.idx.add.f32.msk $0xffff, v20;
	v20 =	vnsel vm1, $0x0, v9;
	v25 =	vsel vm3, v19, v2;
	vm3 =	vcmask $0x3F3C  }
0x47: {  	vm2 =	vmand vm1, vm2;
	[tilespmem:v27+s7+$0x0] =	vst.idx.add.f32.msk $0xffff, v20;
	v20 =	vnsel vm1, $0x0, v10;
	vm3 =	vmand vm1, vm3  }
0x48: {  	v27 =	vsel vm2, v19, v2;
	[tilespmem:v28+s7+$0x0] =	vst.idx.add.f32.msk $0xffff, v20;
	v20 =	vnsel vm1, $0x0, v11  }
0x49: {  	v19 =	vsel vm3, v19, v2;
	vm3 =	vmmov vm4;
	vm4 =	vmmov vm0  }
0x4a: {  	[tilespmem:v21+s7+$0x0] =	vst.idx.add.f32.msk $0xffff, v20;
	v20 =	vnsel vm1, $0x0, v12  }
0x4b: {  	[tilespmem:v26+s7+$0x0] =	vst.idx.add.f32.msk $0xffff, v20;
	v20 =	vnsel vm1, $0x0, v13  }
.Ltmp1:
0x4c: {  	[tilespmem:v22+s7+$0x0] =	vst.idx.add.f32.msk $0xffff, v20;
	v20 =	vnsel vm1, $0x0, v14;
	(pc) =	sbr.rel @p0 .LBB2_4-.Ltmp1, $4  }
0x4d: {  	[tilespmem:v23+s7+$0x0] =	vst.idx.add.f32.msk $0xffff, v20;
	v20 =	vnsel vm1, $0x0, v15  }
0x4e: {  	[tilespmem:v24+s7+$0x0] =	vst.idx.add.f32.msk $0xffff, v20;
	v20 =	vnsel vm1, $0x0, v16  }
0x4f: {  	[tilespmem:v25+s7+$0x0] =	vst.idx.add.f32.msk $0xffff, v20;
	v20 =	vnsel vm1, $0x0, v17  }
0x50: {  	s12 =	smov.u32 s11;
	[tilespmem:v27+s7+$0x0] =	vst.idx.add.f32.msk $0xffff, v20;
	v20 =	vnsel vm1, $0x0, v18  }
0x51: {  	_ =	sdelay $0x3  }
0x52: {  	s10 =	sand.u32 $0xFF0, s10;
	[tilespmem:v19+s7+$0x0] =	vst.idx.add.f32.msk $0xffff, v20  }
0x53: {  	v19 =	vld [tilespmem:s10+$0x1000]  }
0x54: {  	s9 =	sadd.s32 $0x10, s9  }
0x55: {  	v20 =	vld [tilespmem:s9+$0x0];
	_ =	sdelay $0x2  }
0x56: {  	v19 =	vsub.s32 v19, v0  }
0x57: {  	vm1 =	vlt.u32 v19, $0x10;
	v19 =	vshll.u32 v19, $0x9  }
0x58: {  	v19 =	vadd.s32 v20, v19;
	vm2 =	vmand vm1, vm4  }
0x59: {  	v20 =	vsel vm2, v19, v2;
	vm2 =	vmand vm1, vm3  }
0x5a: {  	v21 =	vsel vm2, v19, v2;
	vm2 =	vmand vm1, vm5  }
0x5b: {  	v22 =	vsel vm2, v19, v2;
	vm2 =	vmand vm1, vm6  }
0x5c: {  	v23 =	vsel vm2, v19, v2;
	vm2 =	vmand vm1, vm7  }
0x5d: {  	v24 =	vsel vm2, v19, v2;
	vm2 =	vmand vm1, vm8  }
0x5e: {  	vm0 =	vcmask $0x3734;
	v26 =	vsel vm2, v19, v2;
	vm2 =	vmand vm1, vm9  }
0x5f: {  	v25 =	vnsel vm1, $0x0, v3;
	v54 =	vsel vm2, v19, v2;
	vm2 =	vmand vm1, vm10  }
0x60: {  	[tilespmem:v20+s7+$0x0] =	vst.idx.add.f32.msk $0xffff, v25;
	v20 =	vnsel vm1, $0x0, v4;
	v55 =	vsel vm2, v19, v2;
	vm2 =	vmand vm1, vm11  }
0x61: {  	[tilespmem:v21+s7+$0x0] =	vst.idx.add.f32.msk $0xffff, v20;
	v20 =	vnsel vm1, $0x0, v5;
	v56 =	vsel vm2, v19, v2;
	vm2 =	vmand vm1, vm12  }
0x62: {  	[tilespmem:v22+s7+$0x0] =	vst.idx.add.f32.msk $0xffff, v20;
	v20 =	vnsel vm1, $0x0, v6;
	v57 =	vsel vm2, v19, v2;
	vm2 =	vmand vm1, vm13  }
0x63: {  	[tilespmem:v23+s7+$0x0] =	vst.idx.add.f32.msk $0xffff, v20;
	v20 =	vnsel vm1, $0x0, v7;
	v58 =	vsel vm2, v19, v2;
	vm2 =	vmand vm1, vm14  }
0x64: {  	[tilespmem:v24+s7+$0x0] =	vst.idx.add.f32.msk $0xffff, v20;
	v20 =	vnsel vm1, $0x0, v8;
	v59 =	vsel vm2, v19, v2;
	vm2 =	vmand vm1, vm15  }
0x65: {  	[tilespmem:v26+s7+$0x0] =	vst.idx.add.f32.msk $0xffff, v20;
	v20 =	vnsel vm1, $0x0, v9;
	v60 =	vsel vm2, v19, v2;
	vm2 =	vmand vm1, vm0  }
0x66: {  	[tilespmem:v54+s7+$0x0] =	vst.idx.add.f32.msk $0xffff, v20;
	v20 =	vnsel vm1, $0x0, v10;
	v61 =	vsel vm2, v19, v2;
	vm2 =	vcmask $0x3B38  }
0x67: {  	[tilespmem:v55+s7+$0x0] =	vst.idx.add.f32.msk $0xffff, v20;
	v20 =	vnsel vm1, $0x0, v11;
	vm2 =	vmand vm1, vm2  }
0x68: {  	[tilespmem:v56+s7+$0x0] =	vst.idx.add.f32.msk $0xffff, v20;
	v20 =	vnsel vm1, $0x0, v12;
	v62 =	vsel vm2, v19, v2;
	vm2 =	vcmask $0x3F3C  }
0x69: {  	[tilespmem:v57+s7+$0x0] =	vst.idx.add.f32.msk $0xffff, v20;
	v20 =	vnsel vm1, $0x0, v13;
	vm2 =	vmand vm1, vm2  }
0x6a: {  	[tilespmem:v58+s7+$0x0] =	vst.idx.add.f32.msk $0xffff, v20;
	v20 =	vnsel vm1, $0x0, v14;
	v19 =	vsel vm2, v19, v2  }
0x6b: {  	[tilespmem:v59+s7+$0x0] =	vst.idx.add.f32.msk $0xffff, v20;
	v20 =	vnsel vm1, $0x0, v15  }
0x6c: {  	[tilespmem:v60+s7+$0x0] =	vst.idx.add.f32.msk $0xffff, v20;
	v20 =	vnsel vm1, $0x0, v16  }
0x6d: {  	s8 =	sadd.s32 $0x1, s8;
	[tilespmem:v61+s7+$0x0] =	vst.idx.add.f32.msk $0xffff, v20;
	v20 =	vnsel vm1, $0x0, v17  }
0x6e: {  	p0 =	sne.s32 s8, s5;
	v63 =	vnsel vm1, $0x0, v18;
	[tilespmem:v62+s7+$0x0] =	vst.idx.add.f32.msk $0xffff, v20  }
.Ltmp2:
0x6f: {  	[tilespmem:v19+s7+$0x0] =	vst.idx.add.f32.msk $0xffff, v63;
	(pc) =	sbr.rel @p0 .LBB2_1-.Ltmp2, $4  }
0x70: {  	[hbm4b:s4+s3] =	stream.linear.scatter [tilespmem:s7], [sflag:$0x1], $0x2000, $0x38;
	[tilespmem:$0x4080] =	vst v63  }
0x71: {  	_ =	swait.ge [sflag:s6], $0x2000  }
0x72: {  	[sflag:s6] =	ssyncset.done $0x0  }
0x73: {  	[sflag:s6] =	ssyncadd.s32 $0xFFFFE000  }
0x74: {  	_ =	sfence.sel $0x180000  }
0x75: {  	[bflag:$0x0] =	sbarrier.arrive $0xFFFF  }
0x76: {  	p0 =	sne.s32 s0, $0x0;
	_ =	strace $0x90000047  }
0x77: {  	s0 =	sadd.s32 @!p0 $0x100000, s2;
	[bflag:$0x2] =	sbarrier.arrive $0xFFFF  }
0x78: {  	[sflag:s0] =	ssyncadd.tile.s32 @!p0 $0x1;
	_ =	shalt  }
.Lfunc_end2:
_tile_overlayer_lowered:
.L_overlay_start_2:
0x79: {  	(tag) =	ssettag $0x2  }
0x7a: {  	s0 =	rddreg [dreg:$0x0];
	s2 =	stileid.u32  }
0x7b: {  	s1 =	rddreg [dreg:$0x1];
	p0 =	sne.s32 s2, $0x0  }
0x7c: {  	s3 =	rddreg [dreg:$0x2];
	[bflag:$0x3] =	sbarrier.arrive $0xFFFF;
	s2 =	simm.s32 @!p0 $0x1C01  }
0x7d: {  	[timem:s3], [sflag:s2] =	dma.local @!p0 [hbm:s0], s1  }
0x7e: {  	s0 =	simm.s32 @!p0 $0x1  }
0x7f: {  	_ =	swait.ge @!p0 [sflag:s0], s1  }
0x80: {  	s1 =	ssub.s32 @!p0 $0x0, s1;
	[sflag:s0] =	ssyncset.done @!p0 $0x0  }
0x81: {  	[sflag:s0] =	ssyncadd.s32 @!p0 s1  }
0x82: {  	[bflag:$0x3] =	sbarrier.arrive $0xFFFF  }
0x83: {  	_ =	shalt  }

</sc_bundles>
